<compile_context>
chip_gen: v7x
topology: tpu7x:2x2x1
jax: 0.10.2.dev20260603
libtpu: 0.0.44.dev20260713+nightly
codegen_flags: <defaults>
</compile_context>

<pallas_src>
import functools

import jax
import jax.numpy as jnp
from jax import lax
from jax.experimental import pallas as pl
from jax.experimental.pallas import tpu as pltpu
from jax.experimental.pallas import tpu_sc as plsc

_B = 16384
_K = 32
_D = 26
_NC = 2
_NS = 16
_NW = _NC * _NS
_BPW = _B // _NW
_NCH = _BPW // 128


def _sc_gather(ue, be, ul16, bl16, uidx, bidx, uhi, bhi):
    mesh = plsc.VectorSubcoreMesh(
        core_axis_name="c", subcore_axis_name="s",
        num_cores=_NC, num_subcores=_NS)

    @functools.partial(
        pl.kernel,
        out_type=(
            jax.ShapeDtypeStruct((_B, _K), jnp.bfloat16),
            jax.ShapeDtypeStruct((_B, _K), jnp.bfloat16),
            jax.ShapeDtypeStruct((_B, 16), jnp.float32),
            jax.ShapeDtypeStruct((_B, 16), jnp.float32),
        ),
        mesh=mesh,
        compiler_params=pltpu.CompilerParams(use_tc_tiling_on_sc=False),
        scratch_types=[
            pltpu.VMEM((_NCH, 128), jnp.int32),
            pltpu.VMEM((_NCH, 128), jnp.int32),
            pltpu.VMEM((_NCH, 128), jnp.int32),
            pltpu.VMEM((_NCH, 128), jnp.int32),
            pltpu.VMEM((_BPW, _K), jnp.bfloat16),
            pltpu.VMEM((_BPW, _K), jnp.bfloat16),
            pltpu.VMEM((_BPW, 16), jnp.float32),
            pltpu.VMEM((_BPW, 16), jnp.float32),
            pltpu.SemaphoreType.DMA,
        ],
    )
    def k(ue_hbm, be_hbm, ul_hbm, bl_hbm, uidx_hbm, bidx_hbm,
          uhi_hbm, bhi_hbm,
          uo_hbm, bo_hbm, ulo_hbm, blo_hbm,
          uidx_v, bidx_v, uhi_v, bhi_v, urows_v, brows_v, ulv, blv, sem):
        wid = lax.axis_index("s") * _NC + lax.axis_index("c")
        cbase = wid * _NCH
        pltpu.sync_copy(uidx_hbm.at[pl.ds(cbase, _NCH)], uidx_v)
        pltpu.sync_copy(bidx_hbm.at[pl.ds(cbase, _NCH)], bidx_v)
        pltpu.sync_copy(uhi_hbm.at[pl.ds(cbase, _NCH)], uhi_v)
        pltpu.sync_copy(bhi_hbm.at[pl.ds(cbase, _NCH)], bhi_v)
        copies = []
        for j in range(_NCH):
            sl = pl.ds(j * 128, 128)
            copies.append(pltpu.async_copy(
                ue_hbm.at[uidx_v.at[j]], urows_v.at[sl], sem))
            copies.append(pltpu.async_copy(
                be_hbm.at[bidx_v.at[j]], brows_v.at[sl], sem))
            copies.append(pltpu.async_copy(
                ul_hbm.at[uhi_v.at[j]], ulv.at[sl], sem))
            copies.append(pltpu.async_copy(
                bl_hbm.at[bhi_v.at[j]], blv.at[sl], sem))
        for c in copies:
            c.wait()
        base = wid * _BPW
        pltpu.sync_copy(urows_v, uo_hbm.at[pl.ds(base, _BPW)])
        pltpu.sync_copy(brows_v, bo_hbm.at[pl.ds(base, _BPW)])
        pltpu.sync_copy(ulv, ulo_hbm.at[pl.ds(base, _BPW)])
        pltpu.sync_copy(blv, blo_hbm.at[pl.ds(base, _BPW)])

    return k(ue, be, ul16, bl16, uidx, bidx, uhi, bhi)


def _tc_body(u_ref, b_ref, ul16_ref, bl16_ref, ulane_ref, blane_ref,
             num_ref, bias_ref, nl_ref, ne_ref, g_ref, bt_ref, out_ref):
    eps = 1e-5
    num_n = num_ref[...] * (g_ref[...] * lax.rsqrt(1.0 + eps)) + bt_ref[...]
    ne = ne_ref[...]
    nsum = jnp.dot(num_n, ne, preferred_element_type=jnp.float32)
    u = u_ref[...].astype(jnp.float32)
    b = b_ref[...].astype(jnp.float32)
    s = u + b + nsum
    e2 = jnp.sum(ne * ne, axis=1, keepdims=True)
    nsq = jnp.dot(num_n * num_n, e2, preferred_element_type=jnp.float32)
    lanes = lax.broadcasted_iota(jnp.int32, ul16_ref.shape, 1)
    ul = jnp.sum(jnp.where(lanes == ulane_ref[...], ul16_ref[...], 0.0),
                 axis=1, keepdims=True)
    bl = jnp.sum(jnp.where(lanes == blane_ref[...], bl16_ref[...], 0.0),
                 axis=1, keepdims=True)
    lin = (bias_ref[...] + ul + bl
           + jnp.dot(num_n, nl_ref[...], preferred_element_type=jnp.float32))
    inter = 0.5 * (jnp.sum(s * s, axis=1, keepdims=True)
                   - jnp.sum(u * u, axis=1, keepdims=True)
                   - jnp.sum(b * b, axis=1, keepdims=True)
                   - nsq)
    out_ref[...] = jnp.clip(lin + inter, 1.0, 5.0)


def _tc_combine(urows, brows, ul16, bl16, ulane, blane, num, bias,
                num_lin, num_emb, bn_gamma, bn_beta):
    blk = 2048
    grid = (_B // blk,)
    row = lambda i: (i, 0)
    rep = lambda i: (0, 0)
    return pl.pallas_call(
        _tc_body,
        grid=grid,
        in_specs=[
            pl.BlockSpec((blk, _K), row),
            pl.BlockSpec((blk, _K), row),
            pl.BlockSpec((blk, 16), row),
            pl.BlockSpec((blk, 16), row),
            pl.BlockSpec((blk, 1), row),
            pl.BlockSpec((blk, 1), row),
            pl.BlockSpec((blk, _D), row),
            pl.BlockSpec((1, 1), rep),
            pl.BlockSpec((_D, 1), rep),
            pl.BlockSpec((_D, _K), rep),
            pl.BlockSpec((1, _D), rep),
            pl.BlockSpec((1, _D), rep),
        ],
        out_specs=pl.BlockSpec((blk, 1), row),
        out_shape=jax.ShapeDtypeStruct((_B, 1), jnp.float32),
    )(urows, brows, ul16, bl16, ulane, blane, num, bias, num_lin,
      num_emb, bn_gamma, bn_beta)


def kernel(user, biz, num, bias, user_lin_w, biz_lin_w, num_lin,
           user_emb_w, biz_emb_w, num_emb, bn_gamma, bn_beta):
    user = user.astype(jnp.int32)
    biz = biz.astype(jnp.int32)
    uidx = user.reshape(_B // 128, 128)
    bidx = biz.reshape(_B // 128, 128)
    uhi = (user >> 4).reshape(_B // 128, 128)
    bhi = (biz >> 4).reshape(_B // 128, 128)
    ul16 = user_lin_w.reshape(-1, 16)
    bl16 = biz_lin_w.reshape(-1, 16)
    urows, brows, ulg, blg = _sc_gather(
        user_emb_w.astype(jnp.bfloat16), biz_emb_w.astype(jnp.bfloat16),
        ul16, bl16, uidx, bidx, uhi, bhi)
    out = _tc_combine(
        urows, brows, ulg, blg,
        (user & 15).reshape(_B, 1), (biz & 15).reshape(_B, 1), num,
        bias.reshape(1, 1), num_lin.reshape(_D, 1), num_emb,
        bn_gamma.reshape(1, _D), bn_beta.reshape(1, _D))
    return out.reshape(_B)

# --- scband reference (transcript-rebuilt; emitter-appended) ---
"""Pipeline reference for scband-fmmodel-87917980549759 (READ-ONLY COPY).

The authoritative reference and input builder live on the scoring server;
editing this copy changes nothing except your own understanding.
"""

import jax, jax.numpy as jnp
import numpy as np

N_USER = 1000000
N_BIZ = 1000000
NUM_DIM = 26
K = 32
BATCH = 16384


def setup_inputs(seed: int = 0) -> dict:
    key = jax.random.key(seed)
    ks = [jax.random.fold_in(key, i) for i in range(10)]
    user = jax.random.randint(ks[0], (BATCH,), 0, N_USER, dtype=jnp.int64 if jax.config.jax_enable_x64 else jnp.int32)
    biz = jax.random.randint(ks[1], (BATCH,), 0, N_BIZ, dtype=jnp.int64 if jax.config.jax_enable_x64 else jnp.int32)
    num = jax.random.normal(ks[2], (BATCH, NUM_DIM), dtype=jnp.float32)
    bias = jnp.array([3.784], dtype=jnp.float32)
    user_lin_w = 0.01 * jax.random.normal(ks[3], (N_USER, 1), dtype=jnp.float32)
    biz_lin_w = 0.01 * jax.random.normal(ks[4], (N_BIZ, 1), dtype=jnp.float32)
    num_lin = 0.01 * jax.random.normal(ks[5], (NUM_DIM,), dtype=jnp.float32)
    user_emb_w = 0.01 * jax.random.normal(ks[6], (N_USER, K), dtype=jnp.float32)
    biz_emb_w = 0.01 * jax.random.normal(ks[7], (N_BIZ, K), dtype=jnp.float32)
    num_emb = 0.01 * jax.random.normal(ks[8], (NUM_DIM, K), dtype=jnp.float32)
    bn_gamma = jnp.ones((NUM_DIM,), dtype=jnp.float32)
    bn_beta = jnp.zeros((NUM_DIM,), dtype=jnp.float32)
    return {"user": user, "biz": biz, "num": num, "bias": bias,
            "user_lin_w": user_lin_w, "biz_lin_w": biz_lin_w, "num_lin": num_lin,
            "user_emb_w": user_emb_w, "biz_emb_w": biz_emb_w, "num_emb": num_emb,
            "bn_gamma": bn_gamma, "bn_beta": bn_beta}


def reference(user, biz, num, bias, user_lin_w, biz_lin_w, num_lin,
              user_emb_w, biz_emb_w, num_emb, bn_gamma, bn_beta):
    # eval-mode BatchNorm1d: running_mean=0, running_var=1, eps=1e-5
    eps = 1e-5
    num_n = (num - 0.0) / jnp.sqrt(1.0 + eps) * bn_gamma + bn_beta
    # linear term
    linear = bias + jnp.take(user_lin_w, user, axis=0).squeeze(-1) \
                  + jnp.take(biz_lin_w, biz, axis=0).squeeze(-1) \
                  + (num_n * num_lin).sum(axis=1)
    # second-order FM interaction
    u = jnp.take(user_emb_w, user, axis=0)[:, None, :]
    b = jnp.take(biz_emb_w, biz, axis=0)[:, None, :]
    n = num_n[:, :, None] * num_emb[None, :, :]
    all_emb = jnp.concatenate([u, b, n], axis=1)  # dropout is identity in eval mode
    sum_sq = all_emb.sum(axis=1) ** 2
    sq_sum = (all_emb ** 2).sum(axis=1)
    inter = 0.5 * (sum_sq - sq_sum).sum(axis=1)
    out = linear + inter
    out = jnp.clip(out, 1.0, 5.0)  # eval-mode clamp
    return out

if __name__ == "__main__":
    import jax
    _d = setup_inputs()
    print(jax.jit(kernel)(*tuple(_d.values())))

</pallas_src>

<mosaic_0001>
#map = affine_map<(d0, d1) -> (0, 0)>
module attributes {stable_mosaic.version = 14 : i64} {
  func.func @k(%arg0: i32, %arg1: i32, %arg2: memref<1000000x32xbf16, #tpu.memory_space<hbm>>, %arg3: memref<1000000x32xbf16, #tpu.memory_space<hbm>>, %arg4: memref<62500x16xf32, #tpu.memory_space<hbm>>, %arg5: memref<62500x16xf32, #tpu.memory_space<hbm>>, %arg6: memref<128x128xi32, #tpu.memory_space<hbm>>, %arg7: memref<128x128xi32, #tpu.memory_space<hbm>>, %arg8: memref<128x128xi32, #tpu.memory_space<hbm>>, %arg9: memref<128x128xi32, #tpu.memory_space<hbm>>, %arg10: memref<16384x32xbf16, #tpu.memory_space<hbm>>, %arg11: memref<16384x32xbf16, #tpu.memory_space<hbm>>, %arg12: memref<16384x16xf32, #tpu.memory_space<hbm>>, %arg13: memref<16384x16xf32, #tpu.memory_space<hbm>>, %arg14: memref<4x128xi32, #tpu.memory_space<vmem>>, %arg15: memref<4x128xi32, #tpu.memory_space<vmem>>, %arg16: memref<4x128xi32, #tpu.memory_space<vmem>>, %arg17: memref<4x128xi32, #tpu.memory_space<vmem>>, %arg18: memref<512x32xbf16, #tpu.memory_space<vmem>>, %arg19: memref<512x32xbf16, #tpu.memory_space<vmem>>, %arg20: memref<512x16xf32, #tpu.memory_space<vmem>>, %arg21: memref<512x16xf32, #tpu.memory_space<vmem>>, %arg22: memref<!tpu.dma_semaphore, #tpu.memory_space<semaphore_mem>>) attributes {dimension_semantics = [#tpu.dimension_semantics<core_parallel>, #tpu.dimension_semantics<subcore_parallel>], iteration_bounds = array<i64: 2, 16>, scalar_prefetch = 0 : i64, scratch_operands = 9 : i64, tpu.core_type = #tpu.core_type<sc_vector_subcore>, window_params = [{transform_indices = #map}, {transform_indices = #map}, {transform_indices = #map}, {transform_indices = #map}, {transform_indices = #map}, {transform_indices = #map}, {transform_indices = #map}, {transform_indices = #map}, {transform_indices = #map}, {transform_indices = #map}, {transform_indices = #map}, {transform_indices = #map}]} {
    %mul3A = arith.constant 2 : i32
    %mul3A_0 = arith.muli %arg1, %mul3A : i32
    %add3A = arith.addi %mul3A_0, %arg0 : i32
    %mul3A_1 = arith.constant 4 : i32
    %mul3A_2 = arith.muli %add3A, %mul3A_1 : i32
    "tpu.region"() ({
      %run_scoped3A = tpu.sem_alloc : memref<!tpu.dma_semaphore, #tpu.memory_space<semaphore_mem>>
      %dma_start3A_323 = arith.constant 0 : i32
      %dma_start3A_324 = tpu.memref_slice %arg6[%mul3A_2, %dma_start3A_323] : memref<128x128xi32, #tpu.memory_space<hbm>> -> memref<4x128xi32, #tpu.memory_space<hbm>>
      %dma_start3A_325 = arith.constant 0 : i32
      %dma_start3A_326 = tpu.memref_slice %arg6[%mul3A_2, %dma_start3A_325] : memref<128x128xi32, #tpu.memory_space<hbm>> -> memref<4x128xi32, #tpu.memory_space<hbm>>
      tpu.enqueue_dma source(%dma_start3A_326 : memref<4x128xi32, #tpu.memory_space<hbm>>) target(%arg14 : memref<4x128xi32, #tpu.memory_space<vmem>>) target_semaphore(%run_scoped3A : memref<!tpu.dma_semaphore, #tpu.memory_space<semaphore_mem>>)
      %dma_wait3A_327 = arith.constant 0 : i32
      %dma_wait3A_328 = tpu.memref_slice %arg6[%mul3A_2, %dma_wait3A_327] : memref<128x128xi32, #tpu.memory_space<hbm>> -> memref<4x128xi32, #tpu.memory_space<hbm>>
      %dma_wait3A_329 = arith.constant 0 : i32
      %dma_wait3A_330 = tpu.memref_slice %arg6[%mul3A_2, %dma_wait3A_329] : memref<128x128xi32, #tpu.memory_space<hbm>> -> memref<4x128xi32, #tpu.memory_space<hbm>>
      tpu.wait_dma2 semaphore(%run_scoped3A : memref<!tpu.dma_semaphore, #tpu.memory_space<semaphore_mem>>) src(%dma_wait3A_330 : memref<4x128xi32, #tpu.memory_space<hbm>>) dst(%arg14 : memref<4x128xi32, #tpu.memory_space<vmem>>)
      tpu.yield
    }) : () -> ()
    "tpu.region"() ({
      %run_scoped3A = tpu.sem_alloc : memref<!tpu.dma_semaphore, #tpu.memory_space<semaphore_mem>>
      %dma_start3A_323 = arith.constant 0 : i32
      %dma_start3A_324 = tpu.memref_slice %arg7[%mul3A_2, %dma_start3A_323] : memref<128x128xi32, #tpu.memory_space<hbm>> -> memref<4x128xi32, #tpu.memory_space<hbm>>
      %dma_start3A_325 = arith.constant 0 : i32
      %dma_start3A_326 = tpu.memref_slice %arg7[%mul3A_2, %dma_start3A_325] : memref<128x128xi32, #tpu.memory_space<hbm>> -> memref<4x128xi32, #tpu.memory_space<hbm>>
      tpu.enqueue_dma source(%dma_start3A_326 : memref<4x128xi32, #tpu.memory_space<hbm>>) target(%arg15 : memref<4x128xi32, #tpu.memory_space<vmem>>) target_semaphore(%run_scoped3A : memref<!tpu.dma_semaphore, #tpu.memory_space<semaphore_mem>>)
      %dma_wait3A_327 = arith.constant 0 : i32
      %dma_wait3A_328 = tpu.memref_slice %arg7[%mul3A_2, %dma_wait3A_327] : memref<128x128xi32, #tpu.memory_space<hbm>> -> memref<4x128xi32, #tpu.memory_space<hbm>>
      %dma_wait3A_329 = arith.constant 0 : i32
      %dma_wait3A_330 = tpu.memref_slice %arg7[%mul3A_2, %dma_wait3A_329] : memref<128x128xi32, #tpu.memory_space<hbm>> -> memref<4x128xi32, #tpu.memory_space<hbm>>
      tpu.wait_dma2 semaphore(%run_scoped3A : memref<!tpu.dma_semaphore, #tpu.memory_space<semaphore_mem>>) src(%dma_wait3A_330 : memref<4x128xi32, #tpu.memory_space<hbm>>) dst(%arg15 : memref<4x128xi32, #tpu.memory_space<vmem>>)
      tpu.yield
    }) : () -> ()
    "tpu.region"() ({
      %run_scoped3A = tpu.sem_alloc : memref<!tpu.dma_semaphore, #tpu.memory_space<semaphore_mem>>
      %dma_start3A_323 = arith.constant 0 : i32
      %dma_start3A_324 = tpu.memref_slice %arg8[%mul3A_2, %dma_start3A_323] : memref<128x128xi32, #tpu.memory_space<hbm>> -> memref<4x128xi32, #tpu.memory_space<hbm>>
      %dma_start3A_325 = arith.constant 0 : i32
      %dma_start3A_326 = tpu.memref_slice %arg8[%mul3A_2, %dma_start3A_325] : memref<128x128xi32, #tpu.memory_space<hbm>> -> memref<4x128xi32, #tpu.memory_space<hbm>>
      tpu.enqueue_dma source(%dma_start3A_326 : memref<4x128xi32, #tpu.memory_space<hbm>>) target(%arg16 : memref<4x128xi32, #tpu.memory_space<vmem>>) target_semaphore(%run_scoped3A : memref<!tpu.dma_semaphore, #tpu.memory_space<semaphore_mem>>)
      %dma_wait3A_327 = arith.constant 0 : i32
      %dma_wait3A_328 = tpu.memref_slice %arg8[%mul3A_2, %dma_wait3A_327] : memref<128x128xi32, #tpu.memory_space<hbm>> -> memref<4x128xi32, #tpu.memory_space<hbm>>
      %dma_wait3A_329 = arith.constant 0 : i32
      %dma_wait3A_330 = tpu.memref_slice %arg8[%mul3A_2, %dma_wait3A_329] : memref<128x128xi32, #tpu.memory_space<hbm>> -> memref<4x128xi32, #tpu.memory_space<hbm>>
      tpu.wait_dma2 semaphore(%run_scoped3A : memref<!tpu.dma_semaphore, #tpu.memory_space<semaphore_mem>>) src(%dma_wait3A_330 : memref<4x128xi32, #tpu.memory_space<hbm>>) dst(%arg16 : memref<4x128xi32, #tpu.memory_space<vmem>>)
      tpu.yield
    }) : () -> ()
    "tpu.region"() ({
      %run_scoped3A = tpu.sem_alloc : memref<!tpu.dma_semaphore, #tpu.memory_space<semaphore_mem>>
      %dma_start3A_323 = arith.constant 0 : i32
      %dma_start3A_324 = tpu.memref_slice %arg9[%mul3A_2, %dma_start3A_323] : memref<128x128xi32, #tpu.memory_space<hbm>> -> memref<4x128xi32, #tpu.memory_space<hbm>>
      %dma_start3A_325 = arith.constant 0 : i32
      %dma_start3A_326 = tpu.memref_slice %arg9[%mul3A_2, %dma_start3A_325] : memref<128x128xi32, #tpu.memory_space<hbm>> -> memref<4x128xi32, #tpu.memory_space<hbm>>
      tpu.enqueue_dma source(%dma_start3A_326 : memref<4x128xi32, #tpu.memory_space<hbm>>) target(%arg17 : memref<4x128xi32, #tpu.memory_space<vmem>>) target_semaphore(%run_scoped3A : memref<!tpu.dma_semaphore, #tpu.memory_space<semaphore_mem>>)
      %dma_wait3A_327 = arith.constant 0 : i32
      %dma_wait3A_328 = tpu.memref_slice %arg9[%mul3A_2, %dma_wait3A_327] : memref<128x128xi32, #tpu.memory_space<hbm>> -> memref<4x128xi32, #tpu.memory_space<hbm>>
      %dma_wait3A_329 = arith.constant 0 : i32
      %dma_wait3A_330 = tpu.memref_slice %arg9[%mul3A_2, %dma_wait3A_329] : memref<128x128xi32, #tpu.memory_space<hbm>> -> memref<4x128xi32, #tpu.memory_space<hbm>>
      tpu.wait_dma2 semaphore(%run_scoped3A : memref<!tpu.dma_semaphore, #tpu.memory_space<semaphore_mem>>) src(%dma_wait3A_330 : memref<4x128xi32, #tpu.memory_space<hbm>>) dst(%arg17 : memref<4x128xi32, #tpu.memory_space<vmem>>)
      tpu.yield
    }) : () -> ()
    %dma_start3A = arith.constant 0 : i32
    %dma_start3A_3 = arith.constant 0 : i32
    %dma_start3A_4 = arith.constant 0 : i32
    %dma_start3A_5 = tpu.memref_slice %arg18[%dma_start3A_3, %dma_start3A_4] : memref<512x32xbf16, #tpu.memory_space<vmem>> -> memref<128x32xbf16, #tpu.memory_space<vmem>>
    %dma_start3A_6 = arith.constant 0 : i32
    %dma_start3A_7 = tpu.memref_slice %arg14[%dma_start3A, %dma_start3A_6] : memref<4x128xi32, #tpu.memory_space<vmem>> -> memref<1x128xi32, #tpu.memory_space<vmem>>
    %dma_start3A_8 = tpu.memref_squeeze %dma_start3A_7 : memref<1x128xi32, #tpu.memory_space<vmem>> -> memref<128xi32, #tpu.memory_space<vmem>>
    %dma_start3A_9 = arith.constant 0 : i32
    %dma_start3A_10 = arith.constant 0 : i32
    %dma_start3A_11 = tpu.memref_slice %arg2[%dma_start3A_9, %dma_start3A_10] : memref<1000000x32xbf16, #tpu.memory_space<hbm>> -> memref<1000000x32xbf16, #tpu.memory_space<hbm>>
    tpu.enqueue_indirect_dma source(%dma_start3A_11 : memref<1000000x32xbf16, #tpu.memory_space<hbm>>) target(%dma_start3A_5 : memref<128x32xbf16, #tpu.memory_space<vmem>>) offsets(%dma_start3A_8 : memref<128xi32, #tpu.memory_space<vmem>>) semaphore(%arg22 : memref<!tpu.dma_semaphore, #tpu.memory_space<semaphore_mem>>)
    %dma_start3A_12 = arith.constant 0 : i32
    %dma_start3A_13 = arith.constant 0 : i32
    %dma_start3A_14 = arith.constant 0 : i32
    %dma_start3A_15 = tpu.memref_slice %arg19[%dma_start3A_13, %dma_start3A_14] : memref<512x32xbf16, #tpu.memory_space<vmem>> -> memref<128x32xbf16, #tpu.memory_space<vmem>>
    %dma_start3A_16 = arith.constant 0 : i32
    %dma_start3A_17 = tpu.memref_slice %arg15[%dma_start3A_12, %dma_start3A_16] : memref<4x128xi32, #tpu.memory_space<vmem>> -> memref<1x128xi32, #tpu.memory_space<vmem>>
    %dma_start3A_18 = tpu.memref_squeeze %dma_start3A_17 : memref<1x128xi32, #tpu.memory_space<vmem>> -> memref<128xi32, #tpu.memory_space<vmem>>
    %dma_start3A_19 = arith.constant 0 : i32
    %dma_start3A_20 = arith.constant 0 : i32
    %dma_start3A_21 = tpu.memref_slice %arg3[%dma_start3A_19, %dma_start3A_20] : memref<1000000x32xbf16, #tpu.memory_space<hbm>> -> memref<1000000x32xbf16, #tpu.memory_space<hbm>>
    tpu.enqueue_indirect_dma source(%dma_start3A_21 : memref<1000000x32xbf16, #tpu.memory_space<hbm>>) target(%dma_start3A_15 : memref<128x32xbf16, #tpu.memory_space<vmem>>) offsets(%dma_start3A_18 : memref<128xi32, #tpu.memory_space<vmem>>) semaphore(%arg22 : memref<!tpu.dma_semaphore, #tpu.memory_space<semaphore_mem>>)
    %dma_start3A_22 = arith.constant 0 : i32
    %dma_start3A_23 = arith.constant 0 : i32
    %dma_start3A_24 = arith.constant 0 : i32
    %dma_start3A_25 = tpu.memref_slice %arg20[%dma_start3A_23, %dma_start3A_24] : memref<512x16xf32, #tpu.memory_space<vmem>> -> memref<128x16xf32, #tpu.memory_space<vmem>>
    %dma_start3A_26 = arith.constant 0 : i32
    %dma_start3A_27 = tpu.memref_slice %arg16[%dma_start3A_22, %dma_start3A_26] : memref<4x128xi32, #tpu.memory_space<vmem>> -> memref<1x128xi32, #tpu.memory_space<vmem>>
    %dma_start3A_28 = tpu.memref_squeeze %dma_start3A_27 : memref<1x128xi32, #tpu.memory_space<vmem>> -> memref<128xi32, #tpu.memory_space<vmem>>
    %dma_start3A_29 = arith.constant 0 : i32
    %dma_start3A_30 = arith.constant 0 : i32
    %dma_start3A_31 = tpu.memref_slice %arg4[%dma_start3A_29, %dma_start3A_30] : memref<62500x16xf32, #tpu.memory_space<hbm>> -> memref<62500x16xf32, #tpu.memory_space<hbm>>
    tpu.enqueue_indirect_dma source(%dma_start3A_31 : memref<62500x16xf32, #tpu.memory_space<hbm>>) target(%dma_start3A_25 : memref<128x16xf32, #tpu.memory_space<vmem>>) offsets(%dma_start3A_28 : memref<128xi32, #tpu.memory_space<vmem>>) semaphore(%arg22 : memref<!tpu.dma_semaphore, #tpu.memory_space<semaphore_mem>>)
    %dma_start3A_32 = arith.constant 0 : i32
    %dma_start3A_33 = arith.constant 0 : i32
    %dma_start3A_34 = arith.constant 0 : i32
    %dma_start3A_35 = tpu.memref_slice %arg21[%dma_start3A_33, %dma_start3A_34] : memref<512x16xf32, #tpu.memory_space<vmem>> -> memref<128x16xf32, #tpu.memory_space<vmem>>
    %dma_start3A_36 = arith.constant 0 : i32
    %dma_start3A_37 = tpu.memref_slice %arg17[%dma_start3A_32, %dma_start3A_36] : memref<4x128xi32, #tpu.memory_space<vmem>> -> memref<1x128xi32, #tpu.memory_space<vmem>>
    %dma_start3A_38 = tpu.memref_squeeze %dma_start3A_37 : memref<1x128xi32, #tpu.memory_space<vmem>> -> memref<128xi32, #tpu.memory_space<vmem>>
    %dma_start3A_39 = arith.constant 0 : i32
    %dma_start3A_40 = arith.constant 0 : i32
    %dma_start3A_41 = tpu.memref_slice %arg5[%dma_start3A_39, %dma_start3A_40] : memref<62500x16xf32, #tpu.memory_space<hbm>> -> memref<62500x16xf32, #tpu.memory_space<hbm>>
    tpu.enqueue_indirect_dma source(%dma_start3A_41 : memref<62500x16xf32, #tpu.memory_space<hbm>>) target(%dma_start3A_35 : memref<128x16xf32, #tpu.memory_space<vmem>>) offsets(%dma_start3A_38 : memref<128xi32, #tpu.memory_space<vmem>>) semaphore(%arg22 : memref<!tpu.dma_semaphore, #tpu.memory_space<semaphore_mem>>)
    %dma_start3A_42 = arith.constant 1 : i32
    %dma_start3A_43 = arith.constant 128 : i32
    %dma_start3A_44 = arith.constant 0 : i32
    %dma_start3A_45 = tpu.memref_slice %arg18[%dma_start3A_43, %dma_start3A_44] : memref<512x32xbf16, #tpu.memory_space<vmem>> -> memref<128x32xbf16, #tpu.memory_space<vmem>>
    %dma_start3A_46 = arith.constant 0 : i32
    %dma_start3A_47 = tpu.memref_slice %arg14[%dma_start3A_42, %dma_start3A_46] : memref<4x128xi32, #tpu.memory_space<vmem>> -> memref<1x128xi32, #tpu.memory_space<vmem>>
    %dma_start3A_48 = tpu.memref_squeeze %dma_start3A_47 : memref<1x128xi32, #tpu.memory_space<vmem>> -> memref<128xi32, #tpu.memory_space<vmem>>
    %dma_start3A_49 = arith.constant 0 : i32
    %dma_start3A_50 = arith.constant 0 : i32
    %dma_start3A_51 = tpu.memref_slice %arg2[%dma_start3A_49, %dma_start3A_50] : memref<1000000x32xbf16, #tpu.memory_space<hbm>> -> memref<1000000x32xbf16, #tpu.memory_space<hbm>>
    tpu.enqueue_indirect_dma source(%dma_start3A_51 : memref<1000000x32xbf16, #tpu.memory_space<hbm>>) target(%dma_start3A_45 : memref<128x32xbf16, #tpu.memory_space<vmem>>) offsets(%dma_start3A_48 : memref<128xi32, #tpu.memory_space<vmem>>) semaphore(%arg22 : memref<!tpu.dma_semaphore, #tpu.memory_space<semaphore_mem>>)
    %dma_start3A_52 = arith.constant 1 : i32
    %dma_start3A_53 = arith.constant 128 : i32
    %dma_start3A_54 = arith.constant 0 : i32
    %dma_start3A_55 = tpu.memref_slice %arg19[%dma_start3A_53, %dma_start3A_54] : memref<512x32xbf16, #tpu.memory_space<vmem>> -> memref<128x32xbf16, #tpu.memory_space<vmem>>
    %dma_start3A_56 = arith.constant 0 : i32
    %dma_start3A_57 = tpu.memref_slice %arg15[%dma_start3A_52, %dma_start3A_56] : memref<4x128xi32, #tpu.memory_space<vmem>> -> memref<1x128xi32, #tpu.memory_space<vmem>>
    %dma_start3A_58 = tpu.memref_squeeze %dma_start3A_57 : memref<1x128xi32, #tpu.memory_space<vmem>> -> memref<128xi32, #tpu.memory_space<vmem>>
    %dma_start3A_59 = arith.constant 0 : i32
    %dma_start3A_60 = arith.constant 0 : i32
    %dma_start3A_61 = tpu.memref_slice %arg3[%dma_start3A_59, %dma_start3A_60] : memref<1000000x32xbf16, #tpu.memory_space<hbm>> -> memref<1000000x32xbf16, #tpu.memory_space<hbm>>
    tpu.enqueue_indirect_dma source(%dma_start3A_61 : memref<1000000x32xbf16, #tpu.memory_space<hbm>>) target(%dma_start3A_55 : memref<128x32xbf16, #tpu.memory_space<vmem>>) offsets(%dma_start3A_58 : memref<128xi32, #tpu.memory_space<vmem>>) semaphore(%arg22 : memref<!tpu.dma_semaphore, #tpu.memory_space<semaphore_mem>>)
    %dma_start3A_62 = arith.constant 1 : i32
    %dma_start3A_63 = arith.constant 128 : i32
    %dma_start3A_64 = arith.constant 0 : i32
    %dma_start3A_65 = tpu.memref_slice %arg20[%dma_start3A_63, %dma_start3A_64] : memref<512x16xf32, #tpu.memory_space<vmem>> -> memref<128x16xf32, #tpu.memory_space<vmem>>
    %dma_start3A_66 = arith.constant 0 : i32
    %dma_start3A_67 = tpu.memref_slice %arg16[%dma_start3A_62, %dma_start3A_66] : memref<4x128xi32, #tpu.memory_space<vmem>> -> memref<1x128xi32, #tpu.memory_space<vmem>>
    %dma_start3A_68 = tpu.memref_squeeze %dma_start3A_67 : memref<1x128xi32, #tpu.memory_space<vmem>> -> memref<128xi32, #tpu.memory_space<vmem>>
    %dma_start3A_69 = arith.constant 0 : i32
    %dma_start3A_70 = arith.constant 0 : i32
    %dma_start3A_71 = tpu.memref_slice %arg4[%dma_start3A_69, %dma_start3A_70] : memref<62500x16xf32, #tpu.memory_space<hbm>> -> memref<62500x16xf32, #tpu.memory_space<hbm>>
    tpu.enqueue_indirect_dma source(%dma_start3A_71 : memref<62500x16xf32, #tpu.memory_space<hbm>>) target(%dma_start3A_65 : memref<128x16xf32, #tpu.memory_space<vmem>>) offsets(%dma_start3A_68 : memref<128xi32, #tpu.memory_space<vmem>>) semaphore(%arg22 : memref<!tpu.dma_semaphore, #tpu.memory_space<semaphore_mem>>)
    %dma_start3A_72 = arith.constant 1 : i32
    %dma_start3A_73 = arith.constant 128 : i32
    %dma_start3A_74 = arith.constant 0 : i32
    %dma_start3A_75 = tpu.memref_slice %arg21[%dma_start3A_73, %dma_start3A_74] : memref<512x16xf32, #tpu.memory_space<vmem>> -> memref<128x16xf32, #tpu.memory_space<vmem>>
    %dma_start3A_76 = arith.constant 0 : i32
    %dma_start3A_77 = tpu.memref_slice %arg17[%dma_start3A_72, %dma_start3A_76] : memref<4x128xi32, #tpu.memory_space<vmem>> -> memref<1x128xi32, #tpu.memory_space<vmem>>
    %dma_start3A_78 = tpu.memref_squeeze %dma_start3A_77 : memref<1x128xi32, #tpu.memory_space<vmem>> -> memref<128xi32, #tpu.memory_space<vmem>>
    %dma_start3A_79 = arith.constant 0 : i32
    %dma_start3A_80 = arith.constant 0 : i32
    %dma_start3A_81 = tpu.memref_slice %arg5[%dma_start3A_79, %dma_start3A_80] : memref<62500x16xf32, #tpu.memory_space<hbm>> -> memref<62500x16xf32, #tpu.memory_space<hbm>>
    tpu.enqueue_indirect_dma source(%dma_start3A_81 : memref<62500x16xf32, #tpu.memory_space<hbm>>) target(%dma_start3A_75 : memref<128x16xf32, #tpu.memory_space<vmem>>) offsets(%dma_start3A_78 : memref<128xi32, #tpu.memory_space<vmem>>) semaphore(%arg22 : memref<!tpu.dma_semaphore, #tpu.memory_space<semaphore_mem>>)
    %dma_start3A_82 = arith.constant 2 : i32
    %dma_start3A_83 = arith.constant 256 : i32
    %dma_start3A_84 = arith.constant 0 : i32
    %dma_start3A_85 = tpu.memref_slice %arg18[%dma_start3A_83, %dma_start3A_84] : memref<512x32xbf16, #tpu.memory_space<vmem>> -> memref<128x32xbf16, #tpu.memory_space<vmem>>
    %dma_start3A_86 = arith.constant 0 : i32
    %dma_start3A_87 = tpu.memref_slice %arg14[%dma_start3A_82, %dma_start3A_86] : memref<4x128xi32, #tpu.memory_space<vmem>> -> memref<1x128xi32, #tpu.memory_space<vmem>>
    %dma_start3A_88 = tpu.memref_squeeze %dma_start3A_87 : memref<1x128xi32, #tpu.memory_space<vmem>> -> memref<128xi32, #tpu.memory_space<vmem>>
    %dma_start3A_89 = arith.constant 0 : i32
    %dma_start3A_90 = arith.constant 0 : i32
    %dma_start3A_91 = tpu.memref_slice %arg2[%dma_start3A_89, %dma_start3A_90] : memref<1000000x32xbf16, #tpu.memory_space<hbm>> -> memref<1000000x32xbf16, #tpu.memory_space<hbm>>
    tpu.enqueue_indirect_dma source(%dma_start3A_91 : memref<1000000x32xbf16, #tpu.memory_space<hbm>>) target(%dma_start3A_85 : memref<128x32xbf16, #tpu.memory_space<vmem>>) offsets(%dma_start3A_88 : memref<128xi32, #tpu.memory_space<vmem>>) semaphore(%arg22 : memref<!tpu.dma_semaphore, #tpu.memory_space<semaphore_mem>>)
    %dma_start3A_92 = arith.constant 2 : i32
    %dma_start3A_93 = arith.constant 256 : i32
    %dma_start3A_94 = arith.constant 0 : i32
    %dma_start3A_95 = tpu.memref_slice %arg19[%dma_start3A_93, %dma_start3A_94] : memref<512x32xbf16, #tpu.memory_space<vmem>> -> memref<128x32xbf16, #tpu.memory_space<vmem>>
    %dma_start3A_96 = arith.constant 0 : i32
    %dma_start3A_97 = tpu.memref_slice %arg15[%dma_start3A_92, %dma_start3A_96] : memref<4x128xi32, #tpu.memory_space<vmem>> -> memref<1x128xi32, #tpu.memory_space<vmem>>
    %dma_start3A_98 = tpu.memref_squeeze %dma_start3A_97 : memref<1x128xi32, #tpu.memory_space<vmem>> -> memref<128xi32, #tpu.memory_space<vmem>>
    %dma_start3A_99 = arith.constant 0 : i32
    %dma_start3A_100 = arith.constant 0 : i32
    %dma_start3A_101 = tpu.memref_slice %arg3[%dma_start3A_99, %dma_start3A_100] : memref<1000000x32xbf16, #tpu.memory_space<hbm>> -> memref<1000000x32xbf16, #tpu.memory_space<hbm>>
    tpu.enqueue_indirect_dma source(%dma_start3A_101 : memref<1000000x32xbf16, #tpu.memory_space<hbm>>) target(%dma_start3A_95 : memref<128x32xbf16, #tpu.memory_space<vmem>>) offsets(%dma_start3A_98 : memref<128xi32, #tpu.memory_space<vmem>>) semaphore(%arg22 : memref<!tpu.dma_semaphore, #tpu.memory_space<semaphore_mem>>)
    %dma_start3A_102 = arith.constant 2 : i32
    %dma_start3A_103 = arith.constant 256 : i32
    %dma_start3A_104 = arith.constant 0 : i32
    %dma_start3A_105 = tpu.memref_slice %arg20[%dma_start3A_103, %dma_start3A_104] : memref<512x16xf32, #tpu.memory_space<vmem>> -> memref<128x16xf32, #tpu.memory_space<vmem>>
    %dma_start3A_106 = arith.constant 0 : i32
    %dma_start3A_107 = tpu.memref_slice %arg16[%dma_start3A_102, %dma_start3A_106] : memref<4x128xi32, #tpu.memory_space<vmem>> -> memref<1x128xi32, #tpu.memory_space<vmem>>
    %dma_start3A_108 = tpu.memref_squeeze %dma_start3A_107 : memref<1x128xi32, #tpu.memory_space<vmem>> -> memref<128xi32, #tpu.memory_space<vmem>>
    %dma_start3A_109 = arith.constant 0 : i32
    %dma_start3A_110 = arith.constant 0 : i32
    %dma_start3A_111 = tpu.memref_slice %arg4[%dma_start3A_109, %dma_start3A_110] : memref<62500x16xf32, #tpu.memory_space<hbm>> -> memref<62500x16xf32, #tpu.memory_space<hbm>>
    tpu.enqueue_indirect_dma source(%dma_start3A_111 : memref<62500x16xf32, #tpu.memory_space<hbm>>) target(%dma_start3A_105 : memref<128x16xf32, #tpu.memory_space<vmem>>) offsets(%dma_start3A_108 : memref<128xi32, #tpu.memory_space<vmem>>) semaphore(%arg22 : memref<!tpu.dma_semaphore, #tpu.memory_space<semaphore_mem>>)
    %dma_start3A_112 = arith.constant 2 : i32
    %dma_start3A_113 = arith.constant 256 : i32
    %dma_start3A_114 = arith.constant 0 : i32
    %dma_start3A_115 = tpu.memref_slice %arg21[%dma_start3A_113, %dma_start3A_114] : memref<512x16xf32, #tpu.memory_space<vmem>> -> memref<128x16xf32, #tpu.memory_space<vmem>>
    %dma_start3A_116 = arith.constant 0 : i32
    %dma_start3A_117 = tpu.memref_slice %arg17[%dma_start3A_112, %dma_start3A_116] : memref<4x128xi32, #tpu.memory_space<vmem>> -> memref<1x128xi32, #tpu.memory_space<vmem>>
    %dma_start3A_118 = tpu.memref_squeeze %dma_start3A_117 : memref<1x128xi32, #tpu.memory_space<vmem>> -> memref<128xi32, #tpu.memory_space<vmem>>
    %dma_start3A_119 = arith.constant 0 : i32
    %dma_start3A_120 = arith.constant 0 : i32
    %dma_start3A_121 = tpu.memref_slice %arg5[%dma_start3A_119, %dma_start3A_120] : memref<62500x16xf32, #tpu.memory_space<hbm>> -> memref<62500x16xf32, #tpu.memory_space<hbm>>
    tpu.enqueue_indirect_dma source(%dma_start3A_121 : memref<62500x16xf32, #tpu.memory_space<hbm>>) target(%dma_start3A_115 : memref<128x16xf32, #tpu.memory_space<vmem>>) offsets(%dma_start3A_118 : memref<128xi32, #tpu.memory_space<vmem>>) semaphore(%arg22 : memref<!tpu.dma_semaphore, #tpu.memory_space<semaphore_mem>>)
    %dma_start3A_122 = arith.constant 3 : i32
    %dma_start3A_123 = arith.constant 384 : i32
    %dma_start3A_124 = arith.constant 0 : i32
    %dma_start3A_125 = tpu.memref_slice %arg18[%dma_start3A_123, %dma_start3A_124] : memref<512x32xbf16, #tpu.memory_space<vmem>> -> memref<128x32xbf16, #tpu.memory_space<vmem>>
    %dma_start3A_126 = arith.constant 0 : i32
    %dma_start3A_127 = tpu.memref_slice %arg14[%dma_start3A_122, %dma_start3A_126] : memref<4x128xi32, #tpu.memory_space<vmem>> -> memref<1x128xi32, #tpu.memory_space<vmem>>
    %dma_start3A_128 = tpu.memref_squeeze %dma_start3A_127 : memref<1x128xi32, #tpu.memory_space<vmem>> -> memref<128xi32, #tpu.memory_space<vmem>>
    %dma_start3A_129 = arith.constant 0 : i32
    %dma_start3A_130 = arith.constant 0 : i32
    %dma_start3A_131 = tpu.memref_slice %arg2[%dma_start3A_129, %dma_start3A_130] : memref<1000000x32xbf16, #tpu.memory_space<hbm>> -> memref<1000000x32xbf16, #tpu.memory_space<hbm>>
    tpu.enqueue_indirect_dma source(%dma_start3A_131 : memref<1000000x32xbf16, #tpu.memory_space<hbm>>) target(%dma_start3A_125 : memref<128x32xbf16, #tpu.memory_space<vmem>>) offsets(%dma_start3A_128 : memref<128xi32, #tpu.memory_space<vmem>>) semaphore(%arg22 : memref<!tpu.dma_semaphore, #tpu.memory_space<semaphore_mem>>)
    %dma_start3A_132 = arith.constant 3 : i32
    %dma_start3A_133 = arith.constant 384 : i32
    %dma_start3A_134 = arith.constant 0 : i32
    %dma_start3A_135 = tpu.memref_slice %arg19[%dma_start3A_133, %dma_start3A_134] : memref<512x32xbf16, #tpu.memory_space<vmem>> -> memref<128x32xbf16, #tpu.memory_space<vmem>>
    %dma_start3A_136 = arith.constant 0 : i32
    %dma_start3A_137 = tpu.memref_slice %arg15[%dma_start3A_132, %dma_start3A_136] : memref<4x128xi32, #tpu.memory_space<vmem>> -> memref<1x128xi32, #tpu.memory_space<vmem>>
    %dma_start3A_138 = tpu.memref_squeeze %dma_start3A_137 : memref<1x128xi32, #tpu.memory_space<vmem>> -> memref<128xi32, #tpu.memory_space<vmem>>
    %dma_start3A_139 = arith.constant 0 : i32
    %dma_start3A_140 = arith.constant 0 : i32
    %dma_start3A_141 = tpu.memref_slice %arg3[%dma_start3A_139, %dma_start3A_140] : memref<1000000x32xbf16, #tpu.memory_space<hbm>> -> memref<1000000x32xbf16, #tpu.memory_space<hbm>>
    tpu.enqueue_indirect_dma source(%dma_start3A_141 : memref<1000000x32xbf16, #tpu.memory_space<hbm>>) target(%dma_start3A_135 : memref<128x32xbf16, #tpu.memory_space<vmem>>) offsets(%dma_start3A_138 : memref<128xi32, #tpu.memory_space<vmem>>) semaphore(%arg22 : memref<!tpu.dma_semaphore, #tpu.memory_space<semaphore_mem>>)
    %dma_start3A_142 = arith.constant 3 : i32
    %dma_start3A_143 = arith.constant 384 : i32
    %dma_start3A_144 = arith.constant 0 : i32
    %dma_start3A_145 = tpu.memref_slice %arg20[%dma_start3A_143, %dma_start3A_144] : memref<512x16xf32, #tpu.memory_space<vmem>> -> memref<128x16xf32, #tpu.memory_space<vmem>>
    %dma_start3A_146 = arith.constant 0 : i32
    %dma_start3A_147 = tpu.memref_slice %arg16[%dma_start3A_142, %dma_start3A_146] : memref<4x128xi32, #tpu.memory_space<vmem>> -> memref<1x128xi32, #tpu.memory_space<vmem>>
    %dma_start3A_148 = tpu.memref_squeeze %dma_start3A_147 : memref<1x128xi32, #tpu.memory_space<vmem>> -> memref<128xi32, #tpu.memory_space<vmem>>
    %dma_start3A_149 = arith.constant 0 : i32
    %dma_start3A_150 = arith.constant 0 : i32
    %dma_start3A_151 = tpu.memref_slice %arg4[%dma_start3A_149, %dma_start3A_150] : memref<62500x16xf32, #tpu.memory_space<hbm>> -> memref<62500x16xf32, #tpu.memory_space<hbm>>
    tpu.enqueue_indirect_dma source(%dma_start3A_151 : memref<62500x16xf32, #tpu.memory_space<hbm>>) target(%dma_start3A_145 : memref<128x16xf32, #tpu.memory_space<vmem>>) offsets(%dma_start3A_148 : memref<128xi32, #tpu.memory_space<vmem>>) semaphore(%arg22 : memref<!tpu.dma_semaphore, #tpu.memory_space<semaphore_mem>>)
    %dma_start3A_152 = arith.constant 3 : i32
    %dma_start3A_153 = arith.constant 384 : i32
    %dma_start3A_154 = arith.constant 0 : i32
    %dma_start3A_155 = tpu.memref_slice %arg21[%dma_start3A_153, %dma_start3A_154] : memref<512x16xf32, #tpu.memory_space<vmem>> -> memref<128x16xf32, #tpu.memory_space<vmem>>
    %dma_start3A_156 = arith.constant 0 : i32
    %dma_start3A_157 = tpu.memref_slice %arg17[%dma_start3A_152, %dma_start3A_156] : memref<4x128xi32, #tpu.memory_space<vmem>> -> memref<1x128xi32, #tpu.memory_space<vmem>>
    %dma_start3A_158 = tpu.memref_squeeze %dma_start3A_157 : memref<1x128xi32, #tpu.memory_space<vmem>> -> memref<128xi32, #tpu.memory_space<vmem>>
    %dma_start3A_159 = arith.constant 0 : i32
    %dma_start3A_160 = arith.constant 0 : i32
    %dma_start3A_161 = tpu.memref_slice %arg5[%dma_start3A_159, %dma_start3A_160] : memref<62500x16xf32, #tpu.memory_space<hbm>> -> memref<62500x16xf32, #tpu.memory_space<hbm>>
    tpu.enqueue_indirect_dma source(%dma_start3A_161 : memref<62500x16xf32, #tpu.memory_space<hbm>>) target(%dma_start3A_155 : memref<128x16xf32, #tpu.memory_space<vmem>>) offsets(%dma_start3A_158 : memref<128xi32, #tpu.memory_space<vmem>>) semaphore(%arg22 : memref<!tpu.dma_semaphore, #tpu.memory_space<semaphore_mem>>)
    %dma_wait3A = arith.constant 0 : i32
    %dma_wait3A_162 = arith.constant 0 : i32
    %dma_wait3A_163 = arith.constant 0 : i32
    %dma_wait3A_164 = tpu.memref_slice %arg18[%dma_wait3A_162, %dma_wait3A_163] : memref<512x32xbf16, #tpu.memory_space<vmem>> -> memref<128x32xbf16, #tpu.memory_space<vmem>>
    %dma_wait3A_165 = arith.constant 0 : i32
    %dma_wait3A_166 = tpu.memref_slice %arg14[%dma_wait3A, %dma_wait3A_165] : memref<4x128xi32, #tpu.memory_space<vmem>> -> memref<1x128xi32, #tpu.memory_space<vmem>>
    %dma_wait3A_167 = tpu.memref_squeeze %dma_wait3A_166 : memref<1x128xi32, #tpu.memory_space<vmem>> -> memref<128xi32, #tpu.memory_space<vmem>>
    %dma_wait3A_168 = arith.constant 0 : i32
    %dma_wait3A_169 = arith.constant 0 : i32
    %dma_wait3A_170 = tpu.memref_slice %arg2[%dma_wait3A_168, %dma_wait3A_169] : memref<1000000x32xbf16, #tpu.memory_space<hbm>> -> memref<1000000x32xbf16, #tpu.memory_space<hbm>>
    tpu.wait_indirect_dma semaphore(%arg22 : memref<!tpu.dma_semaphore, #tpu.memory_space<semaphore_mem>>) src(%dma_wait3A_170 : memref<1000000x32xbf16, #tpu.memory_space<hbm>>) dst(%dma_wait3A_164 : memref<128x32xbf16, #tpu.memory_space<vmem>>)
    %dma_wait3A_171 = arith.constant 0 : i32
    %dma_wait3A_172 = arith.constant 0 : i32
    %dma_wait3A_173 = arith.constant 0 : i32
    %dma_wait3A_174 = tpu.memref_slice %arg19[%dma_wait3A_172, %dma_wait3A_173] : memref<512x32xbf16, #tpu.memory_space<vmem>> -> memref<128x32xbf16, #tpu.memory_space<vmem>>
    %dma_wait3A_175 = arith.constant 0 : i32
    %dma_wait3A_176 = tpu.memref_slice %arg15[%dma_wait3A_171, %dma_wait3A_175] : memref<4x128xi32, #tpu.memory_space<vmem>> -> memref<1x128xi32, #tpu.memory_space<vmem>>
    %dma_wait3A_177 = tpu.memref_squeeze %dma_wait3A_176 : memref<1x128xi32, #tpu.memory_space<vmem>> -> memref<128xi32, #tpu.memory_space<vmem>>
    %dma_wait3A_178 = arith.constant 0 : i32
    %dma_wait3A_179 = arith.constant 0 : i32
    %dma_wait3A_180 = tpu.memref_slice %arg3[%dma_wait3A_178, %dma_wait3A_179] : memref<1000000x32xbf16, #tpu.memory_space<hbm>> -> memref<1000000x32xbf16, #tpu.memory_space<hbm>>
    tpu.wait_indirect_dma semaphore(%arg22 : memref<!tpu.dma_semaphore, #tpu.memory_space<semaphore_mem>>) src(%dma_wait3A_180 : memref<1000000x32xbf16, #tpu.memory_space<hbm>>) dst(%dma_wait3A_174 : memref<128x32xbf16, #tpu.memory_space<vmem>>)
    %dma_wait3A_181 = arith.constant 0 : i32
    %dma_wait3A_182 = arith.constant 0 : i32
    %dma_wait3A_183 = arith.constant 0 : i32
    %dma_wait3A_184 = tpu.memref_slice %arg20[%dma_wait3A_182, %dma_wait3A_183] : memref<512x16xf32, #tpu.memory_space<vmem>> -> memref<128x16xf32, #tpu.memory_space<vmem>>
    %dma_wait3A_185 = arith.constant 0 : i32
    %dma_wait3A_186 = tpu.memref_slice %arg16[%dma_wait3A_181, %dma_wait3A_185] : memref<4x128xi32, #tpu.memory_space<vmem>> -> memref<1x128xi32, #tpu.memory_space<vmem>>
    %dma_wait3A_187 = tpu.memref_squeeze %dma_wait3A_186 : memref<1x128xi32, #tpu.memory_space<vmem>> -> memref<128xi32, #tpu.memory_space<vmem>>
    %dma_wait3A_188 = arith.constant 0 : i32
    %dma_wait3A_189 = arith.constant 0 : i32
    %dma_wait3A_190 = tpu.memref_slice %arg4[%dma_wait3A_188, %dma_wait3A_189] : memref<62500x16xf32, #tpu.memory_space<hbm>> -> memref<62500x16xf32, #tpu.memory_space<hbm>>
    tpu.wait_indirect_dma semaphore(%arg22 : memref<!tpu.dma_semaphore, #tpu.memory_space<semaphore_mem>>) src(%dma_wait3A_190 : memref<62500x16xf32, #tpu.memory_space<hbm>>) dst(%dma_wait3A_184 : memref<128x16xf32, #tpu.memory_space<vmem>>)
    %dma_wait3A_191 = arith.constant 0 : i32
    %dma_wait3A_192 = arith.constant 0 : i32
    %dma_wait3A_193 = arith.constant 0 : i32
    %dma_wait3A_194 = tpu.memref_slice %arg21[%dma_wait3A_192, %dma_wait3A_193] : memref<512x16xf32, #tpu.memory_space<vmem>> -> memref<128x16xf32, #tpu.memory_space<vmem>>
    %dma_wait3A_195 = arith.constant 0 : i32
    %dma_wait3A_196 = tpu.memref_slice %arg17[%dma_wait3A_191, %dma_wait3A_195] : memref<4x128xi32, #tpu.memory_space<vmem>> -> memref<1x128xi32, #tpu.memory_space<vmem>>
    %dma_wait3A_197 = tpu.memref_squeeze %dma_wait3A_196 : memref<1x128xi32, #tpu.memory_space<vmem>> -> memref<128xi32, #tpu.memory_space<vmem>>
    %dma_wait3A_198 = arith.constant 0 : i32
    %dma_wait3A_199 = arith.constant 0 : i32
    %dma_wait3A_200 = tpu.memref_slice %arg5[%dma_wait3A_198, %dma_wait3A_199] : memref<62500x16xf32, #tpu.memory_space<hbm>> -> memref<62500x16xf32, #tpu.memory_space<hbm>>
    tpu.wait_indirect_dma semaphore(%arg22 : memref<!tpu.dma_semaphore, #tpu.memory_space<semaphore_mem>>) src(%dma_wait3A_200 : memref<62500x16xf32, #tpu.memory_space<hbm>>) dst(%dma_wait3A_194 : memref<128x16xf32, #tpu.memory_space<vmem>>)
    %dma_wait3A_201 = arith.constant 1 : i32
    %dma_wait3A_202 = arith.constant 128 : i32
    %dma_wait3A_203 = arith.constant 0 : i32
    %dma_wait3A_204 = tpu.memref_slice %arg18[%dma_wait3A_202, %dma_wait3A_203] : memref<512x32xbf16, #tpu.memory_space<vmem>> -> memref<128x32xbf16, #tpu.memory_space<vmem>>
    %dma_wait3A_205 = arith.constant 0 : i32
    %dma_wait3A_206 = tpu.memref_slice %arg14[%dma_wait3A_201, %dma_wait3A_205] : memref<4x128xi32, #tpu.memory_space<vmem>> -> memref<1x128xi32, #tpu.memory_space<vmem>>
    %dma_wait3A_207 = tpu.memref_squeeze %dma_wait3A_206 : memref<1x128xi32, #tpu.memory_space<vmem>> -> memref<128xi32, #tpu.memory_space<vmem>>
    %dma_wait3A_208 = arith.constant 0 : i32
    %dma_wait3A_209 = arith.constant 0 : i32
    %dma_wait3A_210 = tpu.memref_slice %arg2[%dma_wait3A_208, %dma_wait3A_209] : memref<1000000x32xbf16, #tpu.memory_space<hbm>> -> memref<1000000x32xbf16, #tpu.memory_space<hbm>>
    tpu.wait_indirect_dma semaphore(%arg22 : memref<!tpu.dma_semaphore, #tpu.memory_space<semaphore_mem>>) src(%dma_wait3A_210 : memref<1000000x32xbf16, #tpu.memory_space<hbm>>) dst(%dma_wait3A_204 : memref<128x32xbf16, #tpu.memory_space<vmem>>)
    %dma_wait3A_211 = arith.constant 1 : i32
    %dma_wait3A_212 = arith.constant 128 : i32
    %dma_wait3A_213 = arith.constant 0 : i32
    %dma_wait3A_214 = tpu.memref_slice %arg19[%dma_wait3A_212, %dma_wait3A_213] : memref<512x32xbf16, #tpu.memory_space<vmem>> -> memref<128x32xbf16, #tpu.memory_space<vmem>>
    %dma_wait3A_215 = arith.constant 0 : i32
    %dma_wait3A_216 = tpu.memref_slice %arg15[%dma_wait3A_211, %dma_wait3A_215] : memref<4x128xi32, #tpu.memory_space<vmem>> -> memref<1x128xi32, #tpu.memory_space<vmem>>
    %dma_wait3A_217 = tpu.memref_squeeze %dma_wait3A_216 : memref<1x128xi32, #tpu.memory_space<vmem>> -> memref<128xi32, #tpu.memory_space<vmem>>
    %dma_wait3A_218 = arith.constant 0 : i32
    %dma_wait3A_219 = arith.constant 0 : i32
    %dma_wait3A_220 = tpu.memref_slice %arg3[%dma_wait3A_218, %dma_wait3A_219] : memref<1000000x32xbf16, #tpu.memory_space<hbm>> -> memref<1000000x32xbf16, #tpu.memory_space<hbm>>
    tpu.wait_indirect_dma semaphore(%arg22 : memref<!tpu.dma_semaphore, #tpu.memory_space<semaphore_mem>>) src(%dma_wait3A_220 : memref<1000000x32xbf16, #tpu.memory_space<hbm>>) dst(%dma_wait3A_214 : memref<128x32xbf16, #tpu.memory_space<vmem>>)
    %dma_wait3A_221 = arith.constant 1 : i32
    %dma_wait3A_222 = arith.constant 128 : i32
    %dma_wait3A_223 = arith.constant 0 : i32
    %dma_wait3A_224 = tpu.memref_slice %arg20[%dma_wait3A_222, %dma_wait3A_223] : memref<512x16xf32, #tpu.memory_space<vmem>> -> memref<128x16xf32, #tpu.memory_space<vmem>>
    %dma_wait3A_225 = arith.constant 0 : i32
    %dma_wait3A_226 = tpu.memref_slice %arg16[%dma_wait3A_221, %dma_wait3A_225] : memref<4x128xi32, #tpu.memory_space<vmem>> -> memref<1x128xi32, #tpu.memory_space<vmem>>
    %dma_wait3A_227 = tpu.memref_squeeze %dma_wait3A_226 : memref<1x128xi32, #tpu.memory_space<vmem>> -> memref<128xi32, #tpu.memory_space<vmem>>
    %dma_wait3A_228 = arith.constant 0 : i32
    %dma_wait3A_229 = arith.constant 0 : i32
    %dma_wait3A_230 = tpu.memref_slice %arg4[%dma_wait3A_228, %dma_wait3A_229] : memref<62500x16xf32, #tpu.memory_space<hbm>> -> memref<62500x16xf32, #tpu.memory_space<hbm>>
    tpu.wait_indirect_dma semaphore(%arg22 : memref<!tpu.dma_semaphore, #tpu.memory_space<semaphore_mem>>) src(%dma_wait3A_230 : memref<62500x16xf32, #tpu.memory_space<hbm>>) dst(%dma_wait3A_224 : memref<128x16xf32, #tpu.memory_space<vmem>>)
    %dma_wait3A_231 = arith.constant 1 : i32
    %dma_wait3A_232 = arith.constant 128 : i32
    %dma_wait3A_233 = arith.constant 0 : i32
    %dma_wait3A_234 = tpu.memref_slice %arg21[%dma_wait3A_232, %dma_wait3A_233] : memref<512x16xf32, #tpu.memory_space<vmem>> -> memref<128x16xf32, #tpu.memory_space<vmem>>
    %dma_wait3A_235 = arith.constant 0 : i32
    %dma_wait3A_236 = tpu.memref_slice %arg17[%dma_wait3A_231, %dma_wait3A_235] : memref<4x128xi32, #tpu.memory_space<vmem>> -> memref<1x128xi32, #tpu.memory_space<vmem>>
    %dma_wait3A_237 = tpu.memref_squeeze %dma_wait3A_236 : memref<1x128xi32, #tpu.memory_space<vmem>> -> memref<128xi32, #tpu.memory_space<vmem>>
    %dma_wait3A_238 = arith.constant 0 : i32
    %dma_wait3A_239 = arith.constant 0 : i32
    %dma_wait3A_240 = tpu.memref_slice %arg5[%dma_wait3A_238, %dma_wait3A_239] : memref<62500x16xf32, #tpu.memory_space<hbm>> -> memref<62500x16xf32, #tpu.memory_space<hbm>>
    tpu.wait_indirect_dma semaphore(%arg22 : memref<!tpu.dma_semaphore, #tpu.memory_space<semaphore_mem>>) src(%dma_wait3A_240 : memref<62500x16xf32, #tpu.memory_space<hbm>>) dst(%dma_wait3A_234 : memref<128x16xf32, #tpu.memory_space<vmem>>)
    %dma_wait3A_241 = arith.constant 2 : i32
    %dma_wait3A_242 = arith.constant 256 : i32
    %dma_wait3A_243 = arith.constant 0 : i32
    %dma_wait3A_244 = tpu.memref_slice %arg18[%dma_wait3A_242, %dma_wait3A_243] : memref<512x32xbf16, #tpu.memory_space<vmem>> -> memref<128x32xbf16, #tpu.memory_space<vmem>>
    %dma_wait3A_245 = arith.constant 0 : i32
    %dma_wait3A_246 = tpu.memref_slice %arg14[%dma_wait3A_241, %dma_wait3A_245] : memref<4x128xi32, #tpu.memory_space<vmem>> -> memref<1x128xi32, #tpu.memory_space<vmem>>
    %dma_wait3A_247 = tpu.memref_squeeze %dma_wait3A_246 : memref<1x128xi32, #tpu.memory_space<vmem>> -> memref<128xi32, #tpu.memory_space<vmem>>
    %dma_wait3A_248 = arith.constant 0 : i32
    %dma_wait3A_249 = arith.constant 0 : i32
    %dma_wait3A_250 = tpu.memref_slice %arg2[%dma_wait3A_248, %dma_wait3A_249] : memref<1000000x32xbf16, #tpu.memory_space<hbm>> -> memref<1000000x32xbf16, #tpu.memory_space<hbm>>
    tpu.wait_indirect_dma semaphore(%arg22 : memref<!tpu.dma_semaphore, #tpu.memory_space<semaphore_mem>>) src(%dma_wait3A_250 : memref<1000000x32xbf16, #tpu.memory_space<hbm>>) dst(%dma_wait3A_244 : memref<128x32xbf16, #tpu.memory_space<vmem>>)
    %dma_wait3A_251 = arith.constant 2 : i32
    %dma_wait3A_252 = arith.constant 256 : i32
    %dma_wait3A_253 = arith.constant 0 : i32
    %dma_wait3A_254 = tpu.memref_slice %arg19[%dma_wait3A_252, %dma_wait3A_253] : memref<512x32xbf16, #tpu.memory_space<vmem>> -> memref<128x32xbf16, #tpu.memory_space<vmem>>
    %dma_wait3A_255 = arith.constant 0 : i32
    %dma_wait3A_256 = tpu.memref_slice %arg15[%dma_wait3A_251, %dma_wait3A_255] : memref<4x128xi32, #tpu.memory_space<vmem>> -> memref<1x128xi32, #tpu.memory_space<vmem>>
    %dma_wait3A_257 = tpu.memref_squeeze %dma_wait3A_256 : memref<1x128xi32, #tpu.memory_space<vmem>> -> memref<128xi32, #tpu.memory_space<vmem>>
    %dma_wait3A_258 = arith.constant 0 : i32
    %dma_wait3A_259 = arith.constant 0 : i32
    %dma_wait3A_260 = tpu.memref_slice %arg3[%dma_wait3A_258, %dma_wait3A_259] : memref<1000000x32xbf16, #tpu.memory_space<hbm>> -> memref<1000000x32xbf16, #tpu.memory_space<hbm>>
    tpu.wait_indirect_dma semaphore(%arg22 : memref<!tpu.dma_semaphore, #tpu.memory_space<semaphore_mem>>) src(%dma_wait3A_260 : memref<1000000x32xbf16, #tpu.memory_space<hbm>>) dst(%dma_wait3A_254 : memref<128x32xbf16, #tpu.memory_space<vmem>>)
    %dma_wait3A_261 = arith.constant 2 : i32
    %dma_wait3A_262 = arith.constant 256 : i32
    %dma_wait3A_263 = arith.constant 0 : i32
    %dma_wait3A_264 = tpu.memref_slice %arg20[%dma_wait3A_262, %dma_wait3A_263] : memref<512x16xf32, #tpu.memory_space<vmem>> -> memref<128x16xf32, #tpu.memory_space<vmem>>
    %dma_wait3A_265 = arith.constant 0 : i32
    %dma_wait3A_266 = tpu.memref_slice %arg16[%dma_wait3A_261, %dma_wait3A_265] : memref<4x128xi32, #tpu.memory_space<vmem>> -> memref<1x128xi32, #tpu.memory_space<vmem>>
    %dma_wait3A_267 = tpu.memref_squeeze %dma_wait3A_266 : memref<1x128xi32, #tpu.memory_space<vmem>> -> memref<128xi32, #tpu.memory_space<vmem>>
    %dma_wait3A_268 = arith.constant 0 : i32
    %dma_wait3A_269 = arith.constant 0 : i32
    %dma_wait3A_270 = tpu.memref_slice %arg4[%dma_wait3A_268, %dma_wait3A_269] : memref<62500x16xf32, #tpu.memory_space<hbm>> -> memref<62500x16xf32, #tpu.memory_space<hbm>>
    tpu.wait_indirect_dma semaphore(%arg22 : memref<!tpu.dma_semaphore, #tpu.memory_space<semaphore_mem>>) src(%dma_wait3A_270 : memref<62500x16xf32, #tpu.memory_space<hbm>>) dst(%dma_wait3A_264 : memref<128x16xf32, #tpu.memory_space<vmem>>)
    %dma_wait3A_271 = arith.constant 2 : i32
    %dma_wait3A_272 = arith.constant 256 : i32
    %dma_wait3A_273 = arith.constant 0 : i32
    %dma_wait3A_274 = tpu.memref_slice %arg21[%dma_wait3A_272, %dma_wait3A_273] : memref<512x16xf32, #tpu.memory_space<vmem>> -> memref<128x16xf32, #tpu.memory_space<vmem>>
    %dma_wait3A_275 = arith.constant 0 : i32
    %dma_wait3A_276 = tpu.memref_slice %arg17[%dma_wait3A_271, %dma_wait3A_275] : memref<4x128xi32, #tpu.memory_space<vmem>> -> memref<1x128xi32, #tpu.memory_space<vmem>>
    %dma_wait3A_277 = tpu.memref_squeeze %dma_wait3A_276 : memref<1x128xi32, #tpu.memory_space<vmem>> -> memref<128xi32, #tpu.memory_space<vmem>>
    %dma_wait3A_278 = arith.constant 0 : i32
    %dma_wait3A_279 = arith.constant 0 : i32
    %dma_wait3A_280 = tpu.memref_slice %arg5[%dma_wait3A_278, %dma_wait3A_279] : memref<62500x16xf32, #tpu.memory_space<hbm>> -> memref<62500x16xf32, #tpu.memory_space<hbm>>
    tpu.wait_indirect_dma semaphore(%arg22 : memref<!tpu.dma_semaphore, #tpu.memory_space<semaphore_mem>>) src(%dma_wait3A_280 : memref<62500x16xf32, #tpu.memory_space<hbm>>) dst(%dma_wait3A_274 : memref<128x16xf32, #tpu.memory_space<vmem>>)
    %dma_wait3A_281 = arith.constant 3 : i32
    %dma_wait3A_282 = arith.constant 384 : i32
    %dma_wait3A_283 = arith.constant 0 : i32
    %dma_wait3A_284 = tpu.memref_slice %arg18[%dma_wait3A_282, %dma_wait3A_283] : memref<512x32xbf16, #tpu.memory_space<vmem>> -> memref<128x32xbf16, #tpu.memory_space<vmem>>
    %dma_wait3A_285 = arith.constant 0 : i32
    %dma_wait3A_286 = tpu.memref_slice %arg14[%dma_wait3A_281, %dma_wait3A_285] : memref<4x128xi32, #tpu.memory_space<vmem>> -> memref<1x128xi32, #tpu.memory_space<vmem>>
    %dma_wait3A_287 = tpu.memref_squeeze %dma_wait3A_286 : memref<1x128xi32, #tpu.memory_space<vmem>> -> memref<128xi32, #tpu.memory_space<vmem>>
    %dma_wait3A_288 = arith.constant 0 : i32
    %dma_wait3A_289 = arith.constant 0 : i32
    %dma_wait3A_290 = tpu.memref_slice %arg2[%dma_wait3A_288, %dma_wait3A_289] : memref<1000000x32xbf16, #tpu.memory_space<hbm>> -> memref<1000000x32xbf16, #tpu.memory_space<hbm>>
    tpu.wait_indirect_dma semaphore(%arg22 : memref<!tpu.dma_semaphore, #tpu.memory_space<semaphore_mem>>) src(%dma_wait3A_290 : memref<1000000x32xbf16, #tpu.memory_space<hbm>>) dst(%dma_wait3A_284 : memref<128x32xbf16, #tpu.memory_space<vmem>>)
    %dma_wait3A_291 = arith.constant 3 : i32
    %dma_wait3A_292 = arith.constant 384 : i32
    %dma_wait3A_293 = arith.constant 0 : i32
    %dma_wait3A_294 = tpu.memref_slice %arg19[%dma_wait3A_292, %dma_wait3A_293] : memref<512x32xbf16, #tpu.memory_space<vmem>> -> memref<128x32xbf16, #tpu.memory_space<vmem>>
    %dma_wait3A_295 = arith.constant 0 : i32
    %dma_wait3A_296 = tpu.memref_slice %arg15[%dma_wait3A_291, %dma_wait3A_295] : memref<4x128xi32, #tpu.memory_space<vmem>> -> memref<1x128xi32, #tpu.memory_space<vmem>>
    %dma_wait3A_297 = tpu.memref_squeeze %dma_wait3A_296 : memref<1x128xi32, #tpu.memory_space<vmem>> -> memref<128xi32, #tpu.memory_space<vmem>>
    %dma_wait3A_298 = arith.constant 0 : i32
    %dma_wait3A_299 = arith.constant 0 : i32
    %dma_wait3A_300 = tpu.memref_slice %arg3[%dma_wait3A_298, %dma_wait3A_299] : memref<1000000x32xbf16, #tpu.memory_space<hbm>> -> memref<1000000x32xbf16, #tpu.memory_space<hbm>>
    tpu.wait_indirect_dma semaphore(%arg22 : memref<!tpu.dma_semaphore, #tpu.memory_space<semaphore_mem>>) src(%dma_wait3A_300 : memref<1000000x32xbf16, #tpu.memory_space<hbm>>) dst(%dma_wait3A_294 : memref<128x32xbf16, #tpu.memory_space<vmem>>)
    %dma_wait3A_301 = arith.constant 3 : i32
    %dma_wait3A_302 = arith.constant 384 : i32
    %dma_wait3A_303 = arith.constant 0 : i32
    %dma_wait3A_304 = tpu.memref_slice %arg20[%dma_wait3A_302, %dma_wait3A_303] : memref<512x16xf32, #tpu.memory_space<vmem>> -> memref<128x16xf32, #tpu.memory_space<vmem>>
    %dma_wait3A_305 = arith.constant 0 : i32
    %dma_wait3A_306 = tpu.memref_slice %arg16[%dma_wait3A_301, %dma_wait3A_305] : memref<4x128xi32, #tpu.memory_space<vmem>> -> memref<1x128xi32, #tpu.memory_space<vmem>>
    %dma_wait3A_307 = tpu.memref_squeeze %dma_wait3A_306 : memref<1x128xi32, #tpu.memory_space<vmem>> -> memref<128xi32, #tpu.memory_space<vmem>>
    %dma_wait3A_308 = arith.constant 0 : i32
    %dma_wait3A_309 = arith.constant 0 : i32
    %dma_wait3A_310 = tpu.memref_slice %arg4[%dma_wait3A_308, %dma_wait3A_309] : memref<62500x16xf32, #tpu.memory_space<hbm>> -> memref<62500x16xf32, #tpu.memory_space<hbm>>
    tpu.wait_indirect_dma semaphore(%arg22 : memref<!tpu.dma_semaphore, #tpu.memory_space<semaphore_mem>>) src(%dma_wait3A_310 : memref<62500x16xf32, #tpu.memory_space<hbm>>) dst(%dma_wait3A_304 : memref<128x16xf32, #tpu.memory_space<vmem>>)
    %dma_wait3A_311 = arith.constant 3 : i32
    %dma_wait3A_312 = arith.constant 384 : i32
    %dma_wait3A_313 = arith.constant 0 : i32
    %dma_wait3A_314 = tpu.memref_slice %arg21[%dma_wait3A_312, %dma_wait3A_313] : memref<512x16xf32, #tpu.memory_space<vmem>> -> memref<128x16xf32, #tpu.memory_space<vmem>>
    %dma_wait3A_315 = arith.constant 0 : i32
    %dma_wait3A_316 = tpu.memref_slice %arg17[%dma_wait3A_311, %dma_wait3A_315] : memref<4x128xi32, #tpu.memory_space<vmem>> -> memref<1x128xi32, #tpu.memory_space<vmem>>
    %dma_wait3A_317 = tpu.memref_squeeze %dma_wait3A_316 : memref<1x128xi32, #tpu.memory_space<vmem>> -> memref<128xi32, #tpu.memory_space<vmem>>
    %dma_wait3A_318 = arith.constant 0 : i32
    %dma_wait3A_319 = arith.constant 0 : i32
    %dma_wait3A_320 = tpu.memref_slice %arg5[%dma_wait3A_318, %dma_wait3A_319] : memref<62500x16xf32, #tpu.memory_space<hbm>> -> memref<62500x16xf32, #tpu.memory_space<hbm>>
    tpu.wait_indirect_dma semaphore(%arg22 : memref<!tpu.dma_semaphore, #tpu.memory_space<semaphore_mem>>) src(%dma_wait3A_320 : memref<62500x16xf32, #tpu.memory_space<hbm>>) dst(%dma_wait3A_314 : memref<128x16xf32, #tpu.memory_space<vmem>>)
    %mul3A_321 = arith.constant 512 : i32
    %mul3A_322 = arith.muli %add3A, %mul3A_321 : i32
    "tpu.region"() ({
      %run_scoped3A = tpu.sem_alloc : memref<!tpu.dma_semaphore, #tpu.memory_space<semaphore_mem>>
      %dma_start3A_323 = arith.constant 0 : i32
      %dma_start3A_324 = tpu.memref_slice %arg10[%mul3A_322, %dma_start3A_323] : memref<16384x32xbf16, #tpu.memory_space<hbm>> -> memref<512x32xbf16, #tpu.memory_space<hbm>>
      %dma_start3A_325 = arith.constant 0 : i32
      %dma_start3A_326 = tpu.memref_slice %arg10[%mul3A_322, %dma_start3A_325] : memref<16384x32xbf16, #tpu.memory_space<hbm>> -> memref<512x32xbf16, #tpu.memory_space<hbm>>
      tpu.enqueue_dma source(%arg18 : memref<512x32xbf16, #tpu.memory_space<vmem>>) target(%dma_start3A_326 : memref<512x32xbf16, #tpu.memory_space<hbm>>) target_semaphore(%run_scoped3A : memref<!tpu.dma_semaphore, #tpu.memory_space<semaphore_mem>>)
      %dma_wait3A_327 = arith.constant 0 : i32
      %dma_wait3A_328 = tpu.memref_slice %arg10[%mul3A_322, %dma_wait3A_327] : memref<16384x32xbf16, #tpu.memory_space<hbm>> -> memref<512x32xbf16, #tpu.memory_space<hbm>>
      %dma_wait3A_329 = arith.constant 0 : i32
      %dma_wait3A_330 = tpu.memref_slice %arg10[%mul3A_322, %dma_wait3A_329] : memref<16384x32xbf16, #tpu.memory_space<hbm>> -> memref<512x32xbf16, #tpu.memory_space<hbm>>
      tpu.wait_dma2 semaphore(%run_scoped3A : memref<!tpu.dma_semaphore, #tpu.memory_space<semaphore_mem>>) src(%arg18 : memref<512x32xbf16, #tpu.memory_space<vmem>>) dst(%dma_wait3A_330 : memref<512x32xbf16, #tpu.memory_space<hbm>>)
      tpu.yield
    }) : () -> ()
    "tpu.region"() ({
      %run_scoped3A = tpu.sem_alloc : memref<!tpu.dma_semaphore, #tpu.memory_space<semaphore_mem>>
      %dma_start3A_323 = arith.constant 0 : i32
      %dma_start3A_324 = tpu.memref_slice %arg11[%mul3A_322, %dma_start3A_323] : memref<16384x32xbf16, #tpu.memory_space<hbm>> -> memref<512x32xbf16, #tpu.memory_space<hbm>>
      %dma_start3A_325 = arith.constant 0 : i32
      %dma_start3A_326 = tpu.memref_slice %arg11[%mul3A_322, %dma_start3A_325] : memref<16384x32xbf16, #tpu.memory_space<hbm>> -> memref<512x32xbf16, #tpu.memory_space<hbm>>
      tpu.enqueue_dma source(%arg19 : memref<512x32xbf16, #tpu.memory_space<vmem>>) target(%dma_start3A_326 : memref<512x32xbf16, #tpu.memory_space<hbm>>) target_semaphore(%run_scoped3A : memref<!tpu.dma_semaphore, #tpu.memory_space<semaphore_mem>>)
      %dma_wait3A_327 = arith.constant 0 : i32
      %dma_wait3A_328 = tpu.memref_slice %arg11[%mul3A_322, %dma_wait3A_327] : memref<16384x32xbf16, #tpu.memory_space<hbm>> -> memref<512x32xbf16, #tpu.memory_space<hbm>>
      %dma_wait3A_329 = arith.constant 0 : i32
      %dma_wait3A_330 = tpu.memref_slice %arg11[%mul3A_322, %dma_wait3A_329] : memref<16384x32xbf16, #tpu.memory_space<hbm>> -> memref<512x32xbf16, #tpu.memory_space<hbm>>
      tpu.wait_dma2 semaphore(%run_scoped3A : memref<!tpu.dma_semaphore, #tpu.memory_space<semaphore_mem>>) src(%arg19 : memref<512x32xbf16, #tpu.memory_space<vmem>>) dst(%dma_wait3A_330 : memref<512x32xbf16, #tpu.memory_space<hbm>>)
      tpu.yield
    }) : () -> ()
    "tpu.region"() ({
      %run_scoped3A = tpu.sem_alloc : memref<!tpu.dma_semaphore, #tpu.memory_space<semaphore_mem>>
      %dma_start3A_323 = arith.constant 0 : i32
      %dma_start3A_324 = tpu.memref_slice %arg12[%mul3A_322, %dma_start3A_323] : memref<16384x16xf32, #tpu.memory_space<hbm>> -> memref<512x16xf32, #tpu.memory_space<hbm>>
      %dma_start3A_325 = arith.constant 0 : i32
      %dma_start3A_326 = tpu.memref_slice %arg12[%mul3A_322, %dma_start3A_325] : memref<16384x16xf32, #tpu.memory_space<hbm>> -> memref<512x16xf32, #tpu.memory_space<hbm>>
      tpu.enqueue_dma source(%arg20 : memref<512x16xf32, #tpu.memory_space<vmem>>) target(%dma_start3A_326 : memref<512x16xf32, #tpu.memory_space<hbm>>) target_semaphore(%run_scoped3A : memref<!tpu.dma_semaphore, #tpu.memory_space<semaphore_mem>>)
      %dma_wait3A_327 = arith.constant 0 : i32
      %dma_wait3A_328 = tpu.memref_slice %arg12[%mul3A_322, %dma_wait3A_327] : memref<16384x16xf32, #tpu.memory_space<hbm>> -> memref<512x16xf32, #tpu.memory_space<hbm>>
      %dma_wait3A_329 = arith.constant 0 : i32
      %dma_wait3A_330 = tpu.memref_slice %arg12[%mul3A_322, %dma_wait3A_329] : memref<16384x16xf32, #tpu.memory_space<hbm>> -> memref<512x16xf32, #tpu.memory_space<hbm>>
      tpu.wait_dma2 semaphore(%run_scoped3A : memref<!tpu.dma_semaphore, #tpu.memory_space<semaphore_mem>>) src(%arg20 : memref<512x16xf32, #tpu.memory_space<vmem>>) dst(%dma_wait3A_330 : memref<512x16xf32, #tpu.memory_space<hbm>>)
      tpu.yield
    }) : () -> ()
    "tpu.region"() ({
      %run_scoped3A = tpu.sem_alloc : memref<!tpu.dma_semaphore, #tpu.memory_space<semaphore_mem>>
      %dma_start3A_323 = arith.constant 0 : i32
      %dma_start3A_324 = tpu.memref_slice %arg13[%mul3A_322, %dma_start3A_323] : memref<16384x16xf32, #tpu.memory_space<hbm>> -> memref<512x16xf32, #tpu.memory_space<hbm>>
      %dma_start3A_325 = arith.constant 0 : i32
      %dma_start3A_326 = tpu.memref_slice %arg13[%mul3A_322, %dma_start3A_325] : memref<16384x16xf32, #tpu.memory_space<hbm>> -> memref<512x16xf32, #tpu.memory_space<hbm>>
      tpu.enqueue_dma source(%arg21 : memref<512x16xf32, #tpu.memory_space<vmem>>) target(%dma_start3A_326 : memref<512x16xf32, #tpu.memory_space<hbm>>) target_semaphore(%run_scoped3A : memref<!tpu.dma_semaphore, #tpu.memory_space<semaphore_mem>>)
      %dma_wait3A_327 = arith.constant 0 : i32
      %dma_wait3A_328 = tpu.memref_slice %arg13[%mul3A_322, %dma_wait3A_327] : memref<16384x16xf32, #tpu.memory_space<hbm>> -> memref<512x16xf32, #tpu.memory_space<hbm>>
      %dma_wait3A_329 = arith.constant 0 : i32
      %dma_wait3A_330 = tpu.memref_slice %arg13[%mul3A_322, %dma_wait3A_329] : memref<16384x16xf32, #tpu.memory_space<hbm>> -> memref<512x16xf32, #tpu.memory_space<hbm>>
      tpu.wait_dma2 semaphore(%run_scoped3A : memref<!tpu.dma_semaphore, #tpu.memory_space<semaphore_mem>>) src(%arg21 : memref<512x16xf32, #tpu.memory_space<vmem>>) dst(%dma_wait3A_330 : memref<512x16xf32, #tpu.memory_space<hbm>>)
      tpu.yield
    }) : () -> ()
    return
  }
}

module attributes {stable_mosaic.version = 14 : i64} {
  func.func @_tc_body(%arg0: i32, %arg1: memref<2048x32xbf16, #tpu.memory_space<vmem>>, %arg2: memref<2048x32xbf16, #tpu.memory_space<vmem>>, %arg3: memref<2048x16xf32, #tpu.memory_space<vmem>>, %arg4: memref<2048x16xf32, #tpu.memory_space<vmem>>, %arg5: memref<2048x1xi32, #tpu.memory_space<vmem>>, %arg6: memref<2048x1xi32, #tpu.memory_space<vmem>>, %arg7: memref<2048x26xf32, #tpu.memory_space<vmem>>, %arg8: memref<1x1xf32, #tpu.memory_space<vmem>>, %arg9: memref<26x1xf32, #tpu.memory_space<vmem>>, %arg10: memref<26x32xf32, #tpu.memory_space<vmem>>, %arg11: memref<1x26xf32, #tpu.memory_space<vmem>>, %arg12: memref<1x26xf32, #tpu.memory_space<vmem>>, %arg13: memref<2048x1xf32, #tpu.memory_space<vmem>>) attributes {dimension_semantics = [#tpu.dimension_semantics<arbitrary>], iteration_bounds = array<i64: 8>, scalar_prefetch = 0 : i64, scratch_operands = 0 : i64, tpu.core_type = #tpu.core_type<tc>, window_params = [{transform_indices = @transform_0, window_bounds = array<i64: 2048, 32>}, {transform_indices = @transform_1, window_bounds = array<i64: 2048, 32>}, {transform_indices = @transform_2, window_bounds = array<i64: 2048, 16>}, {transform_indices = @transform_3, window_bounds = array<i64: 2048, 16>}, {transform_indices = @transform_4, window_bounds = array<i64: 2048, 1>}, {transform_indices = @transform_5, window_bounds = array<i64: 2048, 1>}, {transform_indices = @transform_6, window_bounds = array<i64: 2048, 26>}, {pipeline_mode = #tpu.pipeline_mode<synchronous>, transform_indices = @transform_7, window_bounds = array<i64: 1, 1>}, {pipeline_mode = #tpu.pipeline_mode<synchronous>, transform_indices = @transform_8, window_bounds = array<i64: 26, 1>}, {pipeline_mode = #tpu.pipeline_mode<synchronous>, transform_indices = @transform_9, window_bounds = array<i64: 26, 32>}, {pipeline_mode = #tpu.pipeline_mode<synchronous>, transform_indices = @transform_10, window_bounds = array<i64: 1, 26>}, {pipeline_mode = #tpu.pipeline_mode<synchronous>, transform_indices = @transform_11, window_bounds = array<i64: 1, 26>}, {transform_indices = @transform_12, window_bounds = array<i64: 2048, 1>}]} {
    %get3A = arith.constant 0 : index
    %get3A_0 = arith.constant 0 : index
    %get3A_1 = vector.load %arg7[%get3A, %get3A_0] : memref<2048x26xf32, #tpu.memory_space<vmem>>, vector<2048x26xf32>
    %get3A_2 = arith.constant 0 : index
    %get3A_3 = arith.constant 0 : index
    %get3A_4 = vector.load %arg11[%get3A_2, %get3A_3] : memref<1x26xf32, #tpu.memory_space<vmem>>, vector<1x26xf32>
    %rsqrt3A = arith.constant 1.000010e+00 : f32
    %rsqrt3A_5 = math.rsqrt %rsqrt3A : f32
    %mul3A = vector.broadcast %rsqrt3A_5 : f32 to vector<1x26xf32>
    %mul3A_6 = arith.mulf %get3A_4, %mul3A : vector<1x26xf32>
    %mul3A_7 = vector.broadcast %mul3A_6 : vector<1x26xf32> to vector<2048x26xf32>
    %mul3A_8 = arith.mulf %get3A_1, %mul3A_7 : vector<2048x26xf32>
    %get3A_9 = arith.constant 0 : index
    %get3A_10 = arith.constant 0 : index
    %get3A_11 = vector.load %arg12[%get3A_9, %get3A_10] : memref<1x26xf32, #tpu.memory_space<vmem>>, vector<1x26xf32>
    %add3A = vector.broadcast %get3A_11 : vector<1x26xf32> to vector<2048x26xf32>
    %add3A_12 = arith.addf %mul3A_8, %add3A : vector<2048x26xf32>
    %get3A_13 = arith.constant 0 : index
    %get3A_14 = arith.constant 0 : index
    %get3A_15 = vector.load %arg10[%get3A_13, %get3A_14] : memref<26x32xf32, #tpu.memory_space<vmem>>, vector<26x32xf32>
    %dot_general3A = arith.constant dense<0.000000e+00> : vector<2048x32xf32>
    %dot_general3A_16 = tpu.matmul %add3A_12, %get3A_15, %dot_general3A {dimension_numbers = #tpu.dot_dimension_numbers<[1], [0], [0], [1], [0, 0, 1, 1], [], []>, transpose_lhs_hint = false} : vector<2048x26xf32>, vector<26x32xf32>, vector<2048x32xf32> -> vector<2048x32xf32>
    %get3A_17 = arith.constant 0 : index
    %get3A_18 = arith.constant 0 : index
    %get3A_19 = vector.load %arg1[%get3A_17, %get3A_18] : memref<2048x32xbf16, #tpu.memory_space<vmem>>, vector<2048x32xbf16>
    %convert_element_type3A = arith.extf %get3A_19 : vector<2048x32xbf16> to vector<2048x32xf32>
    %get3A_20 = arith.constant 0 : index
    %get3A_21 = arith.constant 0 : index
    %get3A_22 = vector.load %arg2[%get3A_20, %get3A_21] : memref<2048x32xbf16, #tpu.memory_space<vmem>>, vector<2048x32xbf16>
    %convert_element_type3A_23 = arith.extf %get3A_22 : vector<2048x32xbf16> to vector<2048x32xf32>
    %add3A_24 = arith.addf %convert_element_type3A, %convert_element_type3A_23 : vector<2048x32xf32>
    %add3A_25 = arith.addf %add3A_24, %dot_general3A_16 : vector<2048x32xf32>
    %mul3A_26 = arith.mulf %get3A_15, %get3A_15 : vector<26x32xf32>
    %reduce_sum3A = arith.constant dense<0.000000e+00> : vector<26xf32>
    %reduce_sum3A_27 = vector.multi_reduction <add>, %mul3A_26, %reduce_sum3A [1] : vector<26x32xf32> to vector<26xf32>
    %broadcast_in_dim3A = vector.shape_cast %reduce_sum3A_27 : vector<26xf32> to vector<26x1xf32>
    %mul3A_28 = arith.mulf %add3A_12, %add3A_12 : vector<2048x26xf32>
    %dot_general3A_29 = arith.constant dense<0.000000e+00> : vector<2048x1xf32>
    %dot_general3A_30 = tpu.matmul %mul3A_28, %broadcast_in_dim3A, %dot_general3A_29 {dimension_numbers = #tpu.dot_dimension_numbers<[1], [0], [0], [1], [0, 0, 1, 1], [], []>, transpose_lhs_hint = false} : vector<2048x26xf32>, vector<26x1xf32>, vector<2048x1xf32> -> vector<2048x1xf32>
    %iota3A = tpu.iota {dimensions = array<i32: 1>} : vector<2048x16xi32>
    %get3A_31 = arith.constant 0 : index
    %get3A_32 = arith.constant 0 : index
    %get3A_33 = vector.load %arg5[%get3A_31, %get3A_32] : memref<2048x1xi32, #tpu.memory_space<vmem>>, vector<2048x1xi32>
    %eq3A = vector.broadcast %get3A_33 : vector<2048x1xi32> to vector<2048x16xi32>
    %eq3A_34 = arith.cmpi eq, %iota3A, %eq3A : vector<2048x16xi32>
    %get3A_35 = arith.constant 0 : index
    %get3A_36 = arith.constant 0 : index
    %get3A_37 = vector.load %arg3[%get3A_35, %get3A_36] : memref<2048x16xf32, #tpu.memory_space<vmem>>, vector<2048x16xf32>
    %jit3A = arith.constant 0.000000e+00 : f32
    %broadcast_in_dim3A_38 = vector.broadcast %jit3A : f32 to vector<2048x16xf32>
    %select_n3A = arith.select %eq3A_34, %get3A_37, %broadcast_in_dim3A_38 : vector<2048x16xi1>, vector<2048x16xf32>
    %reduce_sum3A_39 = arith.constant dense<0.000000e+00> : vector<2048xf32>
    %reduce_sum3A_40 = vector.multi_reduction <add>, %select_n3A, %reduce_sum3A_39 [1] : vector<2048x16xf32> to vector<2048xf32>
    %broadcast_in_dim3A_41 = vector.shape_cast %reduce_sum3A_40 : vector<2048xf32> to vector<2048x1xf32>
    %get3A_42 = arith.constant 0 : index
    %get3A_43 = arith.constant 0 : index
    %get3A_44 = vector.load %arg6[%get3A_42, %get3A_43] : memref<2048x1xi32, #tpu.memory_space<vmem>>, vector<2048x1xi32>
    %eq3A_45 = vector.broadcast %get3A_44 : vector<2048x1xi32> to vector<2048x16xi32>
    %eq3A_46 = arith.cmpi eq, %iota3A, %eq3A_45 : vector<2048x16xi32>
    %get3A_47 = arith.constant 0 : index
    %get3A_48 = arith.constant 0 : index
    %get3A_49 = vector.load %arg4[%get3A_47, %get3A_48] : memref<2048x16xf32, #tpu.memory_space<vmem>>, vector<2048x16xf32>
    %jit3A_50 = arith.constant 0.000000e+00 : f32
    %broadcast_in_dim3A_51 = vector.broadcast %jit3A_50 : f32 to vector<2048x16xf32>
    %select_n3A_52 = arith.select %eq3A_46, %get3A_49, %broadcast_in_dim3A_51 : vector<2048x16xi1>, vector<2048x16xf32>
    %reduce_sum3A_53 = arith.constant dense<0.000000e+00> : vector<2048xf32>
    %reduce_sum3A_54 = vector.multi_reduction <add>, %select_n3A_52, %reduce_sum3A_53 [1] : vector<2048x16xf32> to vector<2048xf32>
    %broadcast_in_dim3A_55 = vector.shape_cast %reduce_sum3A_54 : vector<2048xf32> to vector<2048x1xf32>
    %get3A_56 = arith.constant 0 : index
    %get3A_57 = arith.constant 0 : index
    %get3A_58 = vector.load %arg8[%get3A_56, %get3A_57] : memref<1x1xf32, #tpu.memory_space<vmem>>, vector<1x1xf32>
    %add3A_59 = vector.broadcast %get3A_58 : vector<1x1xf32> to vector<2048x1xf32>
    %add3A_60 = arith.addf %add3A_59, %broadcast_in_dim3A_41 : vector<2048x1xf32>
    %add3A_61 = arith.addf %add3A_60, %broadcast_in_dim3A_55 : vector<2048x1xf32>
    %get3A_62 = arith.constant 0 : index
    %get3A_63 = arith.constant 0 : index
    %get3A_64 = vector.load %arg9[%get3A_62, %get3A_63] : memref<26x1xf32, #tpu.memory_space<vmem>>, vector<26x1xf32>
    %dot_general3A_65 = arith.constant dense<0.000000e+00> : vector<2048x1xf32>
    %dot_general3A_66 = tpu.matmul %add3A_12, %get3A_64, %dot_general3A_65 {dimension_numbers = #tpu.dot_dimension_numbers<[1], [0], [0], [1], [0, 0, 1, 1], [], []>, transpose_lhs_hint = false} : vector<2048x26xf32>, vector<26x1xf32>, vector<2048x1xf32> -> vector<2048x1xf32>
    %add3A_67 = arith.addf %add3A_61, %dot_general3A_66 : vector<2048x1xf32>
    %mul3A_68 = arith.mulf %add3A_25, %add3A_25 : vector<2048x32xf32>
    %reduce_sum3A_69 = arith.constant dense<0.000000e+00> : vector<2048xf32>
    %reduce_sum3A_70 = vector.multi_reduction <add>, %mul3A_68, %reduce_sum3A_69 [1] : vector<2048x32xf32> to vector<2048xf32>
    %broadcast_in_dim3A_71 = vector.shape_cast %reduce_sum3A_70 : vector<2048xf32> to vector<2048x1xf32>
    %mul3A_72 = arith.mulf %convert_element_type3A, %convert_element_type3A : vector<2048x32xf32>
    %reduce_sum3A_73 = arith.constant dense<0.000000e+00> : vector<2048xf32>
    %reduce_sum3A_74 = vector.multi_reduction <add>, %mul3A_72, %reduce_sum3A_73 [1] : vector<2048x32xf32> to vector<2048xf32>
    %broadcast_in_dim3A_75 = vector.shape_cast %reduce_sum3A_74 : vector<2048xf32> to vector<2048x1xf32>
    %sub3A = arith.subf %broadcast_in_dim3A_71, %broadcast_in_dim3A_75 : vector<2048x1xf32>
    %mul3A_76 = arith.mulf %convert_element_type3A_23, %convert_element_type3A_23 : vector<2048x32xf32>
    %reduce_sum3A_77 = arith.constant dense<0.000000e+00> : vector<2048xf32>
    %reduce_sum3A_78 = vector.multi_reduction <add>, %mul3A_76, %reduce_sum3A_77 [1] : vector<2048x32xf32> to vector<2048xf32>
    %broadcast_in_dim3A_79 = vector.shape_cast %reduce_sum3A_78 : vector<2048xf32> to vector<2048x1xf32>
    %sub3A_80 = arith.subf %sub3A, %broadcast_in_dim3A_79 : vector<2048x1xf32>
    %sub3A_81 = arith.subf %sub3A_80, %dot_general3A_30 : vector<2048x1xf32>
    %mul3A_82 = arith.constant 5.000000e-01 : f32
    %mul3A_83 = vector.broadcast %mul3A_82 : f32 to vector<2048x1xf32>
    %mul3A_84 = arith.mulf %mul3A_83, %sub3A_81 : vector<2048x1xf32>
    %add3A_85 = arith.addf %add3A_67, %mul3A_84 : vector<2048x1xf32>
    %jit3A_86 = arith.constant 1.000000e+00 : f32
    %jit3A_87 = arith.constant 5.000000e+00 : f32
    %max3A = vector.broadcast %jit3A_86 : f32 to vector<2048x1xf32>
    %max3A_88 = arith.maximumf %max3A, %add3A_85 : vector<2048x1xf32>
    %min3A = vector.broadcast %jit3A_87 : f32 to vector<2048x1xf32>
    %min3A_89 = arith.minimumf %min3A, %max3A_88 : vector<2048x1xf32>
    %swap3A = arith.constant 0 : index
    %swap3A_90 = arith.constant 0 : index
    %swap3A_91 = vector.load %arg13[%swap3A, %swap3A_90] : memref<2048x1xf32, #tpu.memory_space<vmem>>, vector<2048x1xf32>
    tpu.vector_store %arg13[%swap3A, %swap3A_90], %min3A_89 {strides = array<i32>} : memref<2048x1xf32, #tpu.memory_space<vmem>>, vector<2048x1xf32>,
    return
  }
  func.func @transform_0(%arg0: i32) -> (i32, i32) {
    %c0_i32 = arith.constant 0 : i32
    %c0_i32_0 = arith.constant 0 : i32
    return %arg0, %c0_i32 : i32, i32
  }
  func.func @transform_1(%arg0: i32) -> (i32, i32) {
    %c0_i32 = arith.constant 0 : i32
    %c0_i32_0 = arith.constant 0 : i32
    return %arg0, %c0_i32 : i32, i32
  }
  func.func @transform_2(%arg0: i32) -> (i32, i32) {
    %c0_i32 = arith.constant 0 : i32
    %c0_i32_0 = arith.constant 0 : i32
    return %arg0, %c0_i32 : i32, i32
  }
  func.func @transform_3(%arg0: i32) -> (i32, i32) {
    %c0_i32 = arith.constant 0 : i32
    %c0_i32_0 = arith.constant 0 : i32
    return %arg0, %c0_i32 : i32, i32
  }
  func.func @transform_4(%arg0: i32) -> (i32, i32) {
    %c0_i32 = arith.constant 0 : i32
    %c0_i32_0 = arith.constant 0 : i32
    return %arg0, %c0_i32 : i32, i32
  }
  func.func @transform_5(%arg0: i32) -> (i32, i32) {
    %c0_i32 = arith.constant 0 : i32
    %c0_i32_0 = arith.constant 0 : i32
    return %arg0, %c0_i32 : i32, i32
  }
  func.func @transform_6(%arg0: i32) -> (i32, i32) {
    %c0_i32 = arith.constant 0 : i32
    %c0_i32_0 = arith.constant 0 : i32
    return %arg0, %c0_i32 : i32, i32
  }
  func.func @transform_7(%arg0: i32) -> (i32, i32) {
    %c0_i32 = arith.constant 0 : i32
    %c0_i32_0 = arith.constant 0 : i32
    %c0_i32_1 = arith.constant 0 : i32
    return %c0_i32, %c0_i32_0 : i32, i32
  }
  func.func @transform_8(%arg0: i32) -> (i32, i32) {
    %c0_i32 = arith.constant 0 : i32
    %c0_i32_0 = arith.constant 0 : i32
    %c0_i32_1 = arith.constant 0 : i32
    return %c0_i32, %c0_i32_0 : i32, i32
  }
  func.func @transform_9(%arg0: i32) -> (i32, i32) {
    %c0_i32 = arith.constant 0 : i32
    %c0_i32_0 = arith.constant 0 : i32
    %c0_i32_1 = arith.constant 0 : i32
    return %c0_i32, %c0_i32_0 : i32, i32
  }
  func.func @transform_10(%arg0: i32) -> (i32, i32) {
    %c0_i32 = arith.constant 0 : i32
    %c0_i32_0 = arith.constant 0 : i32
    %c0_i32_1 = arith.constant 0 : i32
    return %c0_i32, %c0_i32_0 : i32, i32
  }
  func.func @transform_11(%arg0: i32) -> (i32, i32) {
    %c0_i32 = arith.constant 0 : i32
    %c0_i32_0 = arith.constant 0 : i32
    %c0_i32_1 = arith.constant 0 : i32
    return %c0_i32, %c0_i32_0 : i32, i32
  }
  func.func @transform_12(%arg0: i32) -> (i32, i32) {
    %c0_i32 = arith.constant 0 : i32
    %c0_i32_0 = arith.constant 0 : i32
    return %arg0, %c0_i32 : i32, i32
  }
}

</mosaic_0001>

<sc_bundles>
// kernel: kernel.4.cloned.1.call-start
scs
__scs_entry_jumppad:
0x0: {  	(pc) =	sbr.rel $0x88, $3  }
0x1: {  	(tag) =	ssettag $0x0;
	lr =	simm.s32 $0x1  }
0x2: {  	[smem:$0x3F95] =	sst lr;
	_ =	strace $0xD0000000  }
0x3: {  	_ = 	snop  }
0x4: {  	_ = 	snop  }
0x5: {  	_ = 	snop  }
0x6: {  	_ = 	snop  }
0x7: {  	_ = 	snop  }
__scs_overlays_trampoline_lowered:
0x8: {  	[smem:$0x3FA4] =	sst s0  }
0x9: {  	[smem:$0x3FA5] =	sst s1  }
0xa: {  	[smem:$0x3FA6] =	sst s2  }
0xb: {  	[smem:$0x3FA7] =	sst s3  }
0xc: {  	[smem:$0x3FA8] =	sst s4  }
0xd: {  	[smem:$0x3FA9] =	sst s5  }
0xe: {  	[smem:$0x3FAA] =	sst s6  }
0xf: {  	[smem:$0x3FAB] =	sst s7  }
0x10: {  	[smem:$0x3FAC] =	sst s8  }
0x11: {  	[smem:$0x3FAD] =	sst s9;
	s0 =	simm.s32 @!p0 $0x0  }
0x12: {  	s1 =	sld [smem:$0x3F93];
	s0 =	simm.s32 @p0 $0x1  }
0x13: {  	[smem:$0x3FAE] =	sst s0;
	s0 =	simm.s32 @!p1 $0x0  }
0x14: {  	s2 =	sld [smem:$0x3F92];
	s0 =	simm.s32 @p1 $0x1  }
0x15: {  	[smem:$0x3FAF] =	sst s0;
	s0 =	simm.s32 @!p2 $0x0  }
0x16: {  	s3 =	sld [smem:$0x3FDB];
	s0 =	simm.s32 @p2 $0x1  }
0x17: {  	s4 =	simm.s32 $0x1BF5;
	[smem:$0x3FB1] =	sst s0  }
0x18: {  	s0 =	sld [smem:$0x3F94];
	_ =	swait.ge [sflag:s4], $0x0  }
0x19: {  	s7 =	sld [smem:$0x3F95]  }
0x1a: {  	s8 =	sadd.s32 $0xFFFFE003, lr  }
0x1b: {  	s9 =	sadd.s32 $0xFFFFFEF7, lr;
	s5 =	simm.s32 $0xFFFFFFFF;
	p2 =	slt.u32 s8, $0xFFFFF086  }
0x1c: {  	p1 =	slt.u32 s9, $0xF7A;
	s5 =	simm.s32 @!p2 $0x0  }
0x1d: {  	s5 =	simm.s32 @p1 $0x1;
	p0 =	seq.s32 s7, s2  }
0x1e: {  	s7 =	smul.u32 @!p0 $0xF7A, s2;
	p2 =	seq.s32 @!p0 s5, $0x0  }
0x1f: {  	s9 =	smul.u32 $0xF7A, s1;
	s8 =	simm.s32 @!p0 $0x1BF5;
	p2 =	por !p2, p0  }
0x20: {  	[sflag:s8] =	ssyncset.s32 @!p0 $0xFFFFF086;
	s6 =	sadd.s32 @!p0 s3, s7;
	s7 =	simm.s32 @!p0 $0x108  }
0x21: {  	s3 =	sadd.s32 s3, s9;
	s6 =	sadd.s32 @!p0 $0x88, s6;
	s7 =	simm.s32 @p2 $0x1082  }
0x22: {  	[simem:s7], [sflag:s8] =	dma.local @!p0 [hbm:s6], $0xF7A  }
0x23: {  	s9 =	sor.u32 $0xD0000000, s2;
	s6 =	simm.s32 $0x108;
	_ =	swait.ge @!p0 [sflag:s8], $0x0  }
0x24: {  	s3 =	sadd.s32 $0x88, s3;
	s6 =	simm.s32 @!p1 $0x1082;
	[sflag:s4] =	ssyncset.s32 $0xFFFFF086  }
0x25: {  	[simem:s6], [sflag:s4] =	dma.local [hbm:s3], $0xF7A  }
0x26: {  	[smem:$0x3F95] =	sst s1;
	(tag) =	ssettag s2;
	_ =	strace s9  }
0x27: {  	s1 =	sld [smem:$0x3FA5]  }
0x28: {  	s2 =	sld [smem:$0x3FA6]  }
0x29: {  	s4 =	sld [smem:$0x3FA8]  }
0x2a: {  	p0 =	seq.s32 s5, $0x0;
	s5 =	sld [smem:$0x3FA9]  }
0x2b: {  	s6 =	sld [smem:$0x3FAA]  }
0x2c: {  	s7 =	sld [smem:$0x3FAB]  }
0x2d: {  	s3 =	simm.s32 $0x108;
	s8 =	sld [smem:$0x3FAC]  }
0x2e: {  	s3 =	simm.s32 @!p0 $0x1082;
	s9 =	sld [smem:$0x3FAD]  }
0x2f: {  	lr =	sadd.s32 s0, s3;
	s0 =	sld [smem:$0x3FA4]  }
0x30: {  	s3 =	sld [smem:$0x3FA7]  }
0x31: {  	[smem:$0x3FB0] =	sst s10  }
0x32: {  	s10 =	sld [smem:$0x3FAE];
	_ =	sdelay $0x3  }
0x33: {  	p0 =	seq.s32 s10, $0x1;
	s10 =	sld [smem:$0x3FB0];
	_ =	sdelay $0x3  }
0x34: {  	[smem:$0x3FB0] =	sst s10  }
0x35: {  	s10 =	sld [smem:$0x3FAF];
	_ =	sdelay $0x3  }
0x36: {  	p1 =	seq.s32 s10, $0x1;
	s10 =	sld [smem:$0x3FB0];
	_ =	sdelay $0x3  }
0x37: {  	[smem:$0x3FB0] =	sst s10  }
0x38: {  	s10 =	sld [smem:$0x3FB1]  }
0x39: {  	_ = 	snop;
	(pc) =	sbr.ind lr, $3  }
0x3a: {  	_ = 	snop  }
0x3b: {  	_ = 	snop  }
0x3c: {  	p2 =	seq.s32 s10, $0x1;
	s10 =	sld [smem:$0x3FB0]  }
0x3d: {  	_ =	shalt  }
0x3e: {  	_ =	shalt  }
0x3f: {  	_ =	shalt  }
0x40: {  	_ =	shalt  }
0x41: {  	_ =	shalt  }
0x42: {  	_ =	shalt  }
0x43: {  	_ =	shalt  }
0x44: {  	_ =	shalt  }
0x45: {  	_ =	shalt  }
0x46: {  	_ =	shalt  }
0x47: {  	_ =	shalt  }
0x48: {  	_ =	shalt  }
0x49: {  	_ =	shalt  }
0x4a: {  	_ =	shalt  }
0x4b: {  	_ =	shalt  }
0x4c: {  	_ =	shalt  }
0x4d: {  	_ =	shalt  }
0x4e: {  	_ =	shalt  }
0x4f: {  	_ =	shalt  }
0x50: {  	_ =	shalt  }
0x51: {  	_ =	shalt  }
0x52: {  	_ =	shalt  }
0x53: {  	_ =	shalt  }
0x54: {  	_ =	shalt  }
0x55: {  	_ =	shalt  }
0x56: {  	_ =	shalt  }
0x57: {  	_ =	shalt  }
0x58: {  	_ =	shalt  }
0x59: {  	_ =	shalt  }
0x5a: {  	_ =	shalt  }
0x5b: {  	_ =	shalt  }
0x5c: {  	_ =	shalt  }
0x5d: {  	_ =	shalt  }
0x5e: {  	_ =	shalt  }
0x5f: {  	_ =	shalt  }
0x60: {  	_ =	shalt  }
0x61: {  	_ =	shalt  }
0x62: {  	_ =	shalt  }
0x63: {  	_ =	shalt  }
0x64: {  	_ =	shalt  }
0x65: {  	_ =	shalt  }
0x66: {  	_ =	shalt  }
0x67: {  	_ =	shalt  }
0x68: {  	_ =	shalt  }
0x69: {  	_ =	shalt  }
0x6a: {  	_ =	shalt  }
0x6b: {  	_ =	shalt  }
0x6c: {  	_ =	shalt  }
0x6d: {  	_ =	shalt  }
0x6e: {  	_ =	shalt  }
0x6f: {  	_ =	shalt  }
0x70: {  	_ =	shalt  }
0x71: {  	_ =	shalt  }
0x72: {  	_ =	shalt  }
0x73: {  	_ =	shalt  }
0x74: {  	_ =	shalt  }
0x75: {  	_ =	shalt  }
0x76: {  	_ =	shalt  }
0x77: {  	_ =	shalt  }
0x78: {  	_ =	shalt  }
0x79: {  	_ =	shalt  }
0x7a: {  	_ =	shalt  }
0x7b: {  	_ =	shalt  }
0x7c: {  	_ =	shalt  }
0x7d: {  	_ =	shalt  }
0x7e: {  	_ =	shalt  }
0x7f: {  	_ =	shalt  }
0x80: {  	_ =	shalt  }
0x81: {  	_ =	shalt  }
0x82: {  	_ =	shalt  }
0x83: {  	_ =	shalt  }
0x84: {  	_ =	shalt  }
0x85: {  	_ =	shalt  }
0x86: {  	_ =	shalt  }
0x87: {  	_ =	shalt  }
.Lfunc_end0:
.L_simem_size_0:
called_computation.4_lowered:
.L_overlay_start_0:
0x88: {  	s2 =	sld [smem:$0x3FD9]  }
0x89: {  	s3 =	sld [smem:$0x3FFE];
	_ =	sdelay $0x1  }
0x8a: {  	s1 =	srdreg.scid  }
0x8b: {  	s0 =	sand.u32 $0x1, s1  }
0x8c: {  	s17 =	sshll.u32 s0, $0xA;
	s2 =	sadd.s32 s3, s2  }
0x8d: {  	s2 =	sadd.s32 s2, s17  }
0x8e: {  	[smem:$0x3FBC] =	sst s2  }
0x8f: {  	_ = 	snop  }
0x90: {  	s2 =	sld [smem:$0x3FC9]  }
0x91: {  	s18 =	sld [smem:$0x3FC8]  }
0x92: {  	s4 =	sld [smem:$0x3FD0];
	(tm) =	ssettm $0x1  }
0x93: {  	s5 =	sld [smem:$0x3FFB];
	_ =	sdelay $0x3  }
0x94: {  	_ =	strace s5  }
0x95: {  	s5 =	sld [smem:$0x3FFC];
	_ =	sdelay $0x3  }
0x96: {  	_ =	strace s5  }
0x97: {  	s5 =	sld [smem:$0x3FFD];
	_ =	sdelay $0x3  }
0x98: {  	_ =	strace s5  }
0x99: {  	_ =	strace $0x8FFFFFFF  }
0x9a: {  	s19 =	sld [smem:$0x3FDB];
	_ =	sdelay $0x1  }
0x9b: {  	s6 =	simm.s32 $_scs_section_size  }
0x9c: {  	s7 =	simm.s32 $_size__tile_overlayer_lowered;
	s8 =	simm.s32 $_tile_overlayer_lowered  }
0x9d: {  	s22 =	simm.s32 $0x1BFF;
	s21 =	sshll.u32 s8, $0x1;
	s5 =	sadd.s32 s6, s19  }
0x9e: {  	s9 =	simm.s32 $0x0;
	s20 =	sshll.u32 s7, $0x1;
	s7 =	sadd.s32 s21, s5  }
0x9f: {  	[timem:s9], [sflag:s22] =	dma.local [hbm:s7], s20  }
0xa0: {  	_ =	swait.ge [sflag:s22], s20  }
0xa1: {  	s6 =	ssub.s32 $0x0, s20;
	[sflag:s22] =	ssyncset.done $0x0  }
0xa2: {  	[sflag:s22] =	ssyncadd.s32 s6;
	_ =	sdelay $0x1  }
0xa3: {  	s23 =	simm.s32 $0x1B8B  }
0xa4: {  	_ =	swait.ge [sflag:s23], $0x1  }
0xa5: {  	[sflag:s23] =	ssyncset.done $0x0  }
0xa6: {  	s25 =	simm.s32 $0x1B8E;
	s24 =	sld [smem:$0x3FFE];
	[sflag:s23] =	ssyncadd.s32 $0xFFFFFFFF  }
0xa7: {  	s26 =	simm.s32 $execute0_lowered;
	[smem:$0x3FD2] =	sst s25  }
0xa8: {  	s7 =	sshll.u32 s26, $0x1;
	_ =	strace $0x80000052;
	[dreg:$0x1] =	wrdreg $0xFFFFFFFF  }
0xa9: {  	s28 =	simm.s32 $_size_execute0_lowered;
	s5 =	sadd.s32 s5, s7;
	[dreg:$0x0] =	wrdreg $0x0  }
0xaa: {  	s7 =	sshll.u32 s28, $0x1;
	[dreg:$0x2] =	wrdreg s5  }
0xab: {  	[dreg:$0x3] =	wrdreg s7  }
0xac: {  	[dreg:$0x4] =	wrdreg $0xC0  }
0xad: {  	_ =	task [dreg:s9], $0x5FFFF  }
0xae: {  	[dreg:$0x1] =	wrdreg $0xFFFFFFFF  }
0xaf: {  	[dreg:$0x0] =	wrdreg $0x60  }
0xb0: {  	[dreg:$0x2] =	wrdreg s24  }
0xb1: {  	[dreg:$0x3] =	wrdreg s2  }
0xb2: {  	[dreg:$0x4] =	wrdreg s18  }
0xb3: {  	[dreg:$0x5] =	wrdreg s4  }
0xb4: {  	[dreg:$0x6] =	wrdreg $0x9  }
0xb5: {  	_ =	task.clear_ibuf [dreg:s9], $0x7FFFF;
	_ =	strace $0x90000052  }
0xb6: {  	s29 =	simm.s32 $0x9;
	_ =	strace $0x80000054  }
0xb7: {  	_ =	swait.ge [sflag:s29], $0x1  }
0xb8: {  	[sflag:s29] =	ssyncadd.s32 $0xFFFFFFFF  }
0xb9: {  	_ =	strace $0x90000054  }
0xba: {  	_ =	sfence  }
0xbb: {  	s30 =	sld [smem:$0x0];
	_ =	sdelay $0x2  }
0xbc: {  	s31 =	sshll.u32 s1, $0xD;
	s1 =	sshrl.u32 s1, $0x2  }
0xbd: {  	s3 =	sand.u32 $0x4000, s31;
	s1 =	sadd.s32 s1, s30  }
0xbe: {  	s0 =	sor.u32 s3, s0;
	s1 =	sshll.u32 s1, $0x11  }
0xbf: {  	s0 =	sor.u32 s1, s0  }
0xc0: {  	s0 =	sadd.s32 $0x8F2B, s0  }
0xc1: {  	[sflag:s0] =	ssyncadd.remote.s32 $0x1  }
0xc2: {  	_ =	sfence.sel $0xFFFF  }
0xc3: {  	[dreg:$0x0] =	wrdreg $0xFFFFFFFF;
	(pc) =	sbr.abs _section_cstart, $3  }
0xc4: {  	[dreg:$0x1] =	wrdreg $0xFFFFFFFF  }
0xc5: {  	_ =	task.clear_ibuf [dreg:s9], $0x2FFFF;
	_ =	strace $0x9FFFFFFF  }
0xc6: {  	(tm) =	ssettm $0x7FFFFFFF  }
0xc7: {  	_ =	shalt  }
tec
execute0_lowered:
.L_overlay_start_1:
0x0: {  	(tag) =	ssettag $0x1  }
0x1: {  	s0 =	rddreg [dreg:$0x0]  }
0x2: {  	s1 =	rddreg [dreg:$0x1]  }
0x3: {  	s3 =	rddreg [dreg:$0x2]  }
0x4: {  	s4 =	rddreg [dreg:$0x3]  }
0x5: {  	s5 =	srdreg.scid;
	s17 =	stileid.u32  }
0x6: {  	s2 =	simm.s32 $0x0;
	s18 =	simm.s32 $0x1000;
	s19 =	simm.s32 $0x280  }
0x7: {  	s14 =	simm.s32 $0x200;
	s20 =	simm.s32 $0x3000;
	s15 =	simm.s32 $0x400  }
0x8: {  	s16 =	simm.s32 $0x600;
	s13 =	simm.s32 $0x80;
	s28 =	simm.s32 $0x380  }
0x9: {  	p0 =	por $0x0, $0x0;
	s29 =	simm.s32 $0x4000;
	s30 =	simm.s32 $0x580  }
0xa: {  	s31 =	simm.s32 $0x6000;
	s5 =	sand.u32 $0x1, s5;
	s6 =	sshll.u32 s17, $0x1  }
0xb: {  	[smem:$0x7FF] =	sst s2;
	s8 =	sadd.s32 $0x1E00, s0;
	s9 =	sadd.s32 $0x3D2A00, s0  }
0xc: {  	s10 =	sadd.s32 $0x7A3600, s0;
	_ =	strace $0x80000053;
	[dreg:$0xd] =	wrdreg s18  }
0xd: {  	s6 =	sor.u32 s5, s6;
	s26 =	ssub.s32 $0x2, s5;
	[dreg:$0xe] =	wrdreg s19  }
0xe: {  	[dreg:$0xf] =	wrdreg s20;
	s19 =	simm.s32 $0x300;
	s7 =	sshll.u32 s6, $0x6  }
0xf: {  	s20 =	simm.s32 $0x3800;
	s22 =	sshll.u32 s6, $0xA;
	s1 =	sadd.s32 s1, s7  }
0x10: {  	s5 =	sshrl.u32 s26, $0x1;
	s21 =	sadd.s32 s3, s7;
	[dreg:$0x5] =	wrdreg s1  }
0x11: {  	s11 =	sadd.s32 s7, s0;
	s23 =	sadd.s32 s4, s7;
	[dreg:$0x6] =	wrdreg s21  }
0x12: {  	s3 =	sadd.s32 s22, s0;
	s22 =	simm.s32 $0x5000;
	[dreg:$0x7] =	wrdreg s23  }
0x13: {  	s24 =	sadd.s32 $0x7E0A00, s11;
	s11 =	sadd.s32 $0x7C2000, s0;
	[dreg:$0x11] =	wrdreg s22  }
0x14: {  	s25 =	sadd.s32 $0x1EA400, s3;
	s4 =	sadd.s32 $0x1F2400, s3;
	[dreg:$0x8] =	wrdreg s24  }
0x15: {  	s6 =	sadd.s32 $0x1FA400, s3;
	s1 =	ssub.s32 s26, s5;
	[dreg:$0x9] =	wrdreg s25  }
0x16: {  	s7 =	sadd.s32 $0x202400, s3;
	s3 =	simm.s32 $0x2;
	[dreg:$0xa] =	wrdreg s4  }
0x17: {  	s21 =	simm.s32 $0x480;
	s23 =	simm.s32 $0x680;
	[dreg:$0xb] =	wrdreg s6  }
0x18: {  	s5 =	simm.s32 $0x4800;
	s26 =	simm.s32 $0x1800;
	[dreg:$0xc] =	wrdreg s7  }
0x19: {  	s22 =	simm.s32 $0x780;
	s12 =	smax.u32 s1, $0x1;
	[dreg:$0x10] =	wrdreg s21  }
0x1a: {  	s7 =	simm.s32 $0x800;
	[dreg:$0x12] =	wrdreg s23;
	p1 =	sne.s32 s12, $0x1  }
.Ltmp0:
0x1b: {  	s24 =	simm.s32 $0x7000;
	[dreg:$0x15] =	wrdreg s26;
	(pc) =	sbr.rel @!p1 .LBB2_1-.Ltmp0, $4  }
0x1c: {  	s6 =	simm.s32 $0x2800;
	s25 =	simm.s32 $0x100;
	s1 =	rddreg [dreg:$0x5]  }
0x1d: {  	s4 =	simm.s32 $0x6800;
	s21 =	simm.s32 $0x500;
	[dreg:$0x13] =	wrdreg s24  }
0x1e: {  	s26 =	simm.s32 $0x2000;
	[dreg:$0x14] =	wrdreg s25;
	s24 =	simm.s32 $0x7800  }
0x1f: {  	s25 =	simm.s32 $0x180;
	s0 =	sadd.s32 $0xFFFFFFFF, s12;
	s12 =	simm.s32 $0x1  }
0x20: {  	[tilespmem:s2], [sflag:$0x2] =	stream.linear.gather [hbm4b:s1+s2], $0x200, $0x38;
	[tilespmem:$0x8800] =	vst v63  }
0x21: {  	_ =	swait.ge [sflag:s3], $0x200  }
0x22: {  	[sflag:s3] =	ssyncset.done $0x0  }
0x23: {  	s17 =	rddreg [dreg:$0x6];
	[sflag:s3] =	ssyncadd.s32 $0xFFFFFE00  }
0x24: {  	[tilespmem:s14], [sflag:$0x2] =	stream.linear.gather [hbm4b:s17+s2], $0x200, $0x38;
	[tilespmem:$0x8800] =	vst v63  }
0x25: {  	_ =	swait.ge [sflag:s3], $0x200  }
0x26: {  	[sflag:s3] =	ssyncset.done $0x0  }
0x27: {  	s18 =	rddreg [dreg:$0x7];
	[sflag:s3] =	ssyncadd.s32 $0xFFFFFE00  }
0x28: {  	[tilespmem:s15], [sflag:$0x2] =	stream.linear.gather [hbm4b:s18+s2], $0x200, $0x38;
	[tilespmem:$0x8800] =	vst v63  }
0x29: {  	_ =	swait.ge [sflag:s3], $0x200  }
0x2a: {  	[sflag:s3] =	ssyncset.done $0x0  }
0x2b: {  	s23 =	rddreg [dreg:$0x8];
	[sflag:s3] =	ssyncadd.s32 $0xFFFFFE00  }
0x2c: {  	[tilespmem:s16], [sflag:$0x2] =	stream.linear.gather [hbm4b:s23+s2], $0x200, $0x38;
	[tilespmem:$0x8800] =	vst v63  }
0x2d: {  	_ =	swait.ge [sflag:s3], $0x200  }
0x2e: {  	[sflag:s3] =	ssyncset.done $0x0;
	s23 =	rddreg [dreg:$0x11]  }
0x2f: {  	s17 =	rddreg [dreg:$0xf];
	[sflag:s3] =	ssyncadd.s32 $0xFFFFFE00  }
0x30: {  	[tilespmem:s7], [sflag:$0x1] =	stream.indirect.gather [hbm4b:s8+s13], $0x10, s2, s13, $0xb8;
	[tilespmem:$0x8800] =	vst v63  }
0x31: {  	s18 =	rddreg [dreg:$0xd]  }
0x32: {  	[tilespmem:s6], [sflag:$0x1] =	stream.indirect.gather [hbm4b:s9+s13], $0x10, s14, s13, $0xb8;
	[tilespmem:$0x8800] =	vst v63  }
0x33: {  	s1 =	rddreg [dreg:$0xe]  }
0x34: {  	[tilespmem:s5], [sflag:$0x1] =	stream.indirect.gather [hbm4b:s10+s13], $0x10, s15, s13, $0xb8;
	[tilespmem:$0x8800] =	vst v63  }
0x35: {  	[dreg:$0x16] =	wrdreg s17  }
0x36: {  	[tilespmem:s4], [sflag:$0x1] =	stream.indirect.gather [hbm4b:s11+s13], $0x10, s16, s13, $0xb8;
	[tilespmem:$0x8800] =	vst v63  }
0x37: {  	s17 =	smov.u32 s0;
	s0 =	rddreg [dreg:$0x10]  }
0x38: {  	[tilespmem:s18], [sflag:$0x1] =	stream.indirect.gather [hbm4b:s8+s13], $0x10, s13, s13, $0xb8;
	[tilespmem:$0x8800] =	vst v63  }
0x39: {  	s18 =	rddreg [dreg:$0x16]  }
0x3a: {  	[tilespmem:s18], [sflag:$0x1] =	stream.indirect.gather [hbm4b:s9+s13], $0x10, s1, s13, $0xb8;
	[tilespmem:$0x8800] =	vst v63  }
0x3b: {  	s18 =	rddreg [dreg:$0x13]  }
0x3c: {  	s1 =	rddreg [dreg:$0x12]  }
0x3d: {  	[dreg:$0x17] =	wrdreg s1  }
0x3e: {  	s1 =	rddreg [dreg:$0x15]  }
0x3f: {  	[tilespmem:s23], [sflag:$0x1] =	stream.indirect.gather [hbm4b:s10+s13], $0x10, s0, s13, $0xb8;
	[tilespmem:$0x8800] =	vst v63  }
0x40: {  	s23 =	rddreg [dreg:$0x17]  }
0x41: {  	[tilespmem:s18], [sflag:$0x1] =	stream.indirect.gather [hbm4b:s11+s13], $0x10, s23, s13, $0xb8;
	[tilespmem:$0x8800] =	vst v63  }
0x42: {  	s0 =	rddreg [dreg:$0x14]  }
0x43: {  	[tilespmem:s1], [sflag:$0x1] =	stream.indirect.gather [hbm4b:s8+s13], $0x10, s0, s13, $0xb8;
	[tilespmem:$0x8800] =	vst v63  }
0x44: {  	_ = 	snop  }
0x45: {  	[tilespmem:s20], [sflag:$0x1] =	stream.indirect.gather [hbm4b:s9+s13], $0x10, s19, s13, $0xb8;
	[tilespmem:$0x8800] =	vst v63  }
0x46: {  	s23 =	simm.s32 $0x5800  }
0x47: {  	[tilespmem:s23], [sflag:$0x1] =	stream.indirect.gather [hbm4b:s10+s13], $0x10, s21, s13, $0xb8;
	[tilespmem:$0x8800] =	vst v63  }
0x48: {  	s1 =	simm.s32 $0x700  }
0x49: {  	[tilespmem:s24], [sflag:$0x1] =	stream.indirect.gather [hbm4b:s11+s13], $0x10, s1, s13, $0xb8;
	[tilespmem:$0x8800] =	vst v63  }
0x4a: {  	_ = 	snop  }
0x4b: {  	[tilespmem:s26], [sflag:$0x1] =	stream.indirect.gather [hbm4b:s8+s13], $0x10, s25, s13, $0xb8;
	[tilespmem:$0x8800] =	vst v63  }
0x4c: {  	_ = 	snop  }
0x4d: {  	[tilespmem:s29], [sflag:$0x1] =	stream.indirect.gather [hbm4b:s9+s13], $0x10, s28, s13, $0xb8;
	[tilespmem:$0x8800] =	vst v63  }
0x4e: {  	_ = 	snop  }
0x4f: {  	[tilespmem:s31], [sflag:$0x1] =	stream.indirect.gather [hbm4b:s10+s13], $0x10, s30, s13, $0xb8;
	[tilespmem:$0x8800] =	vst v63  }
0x50: {  	s18 =	simm.s32 $0x8000  }
0x51: {  	[tilespmem:s18], [sflag:$0x1] =	stream.indirect.gather [hbm4b:s11+s13], $0x10, s22, s13, $0xb8;
	[tilespmem:$0x8800] =	vst v63  }
0x52: {  	_ =	swait.ge [sflag:s12], $0x800  }
0x53: {  	[sflag:s12] =	ssyncset.done $0x0  }
0x54: {  	[sflag:s12] =	ssyncadd.s32 $0xFFFFF800  }
0x55: {  	_ =	swait.ge [sflag:s12], $0x800  }
0x56: {  	[sflag:s12] =	ssyncset.done $0x0  }
0x57: {  	[sflag:s12] =	ssyncadd.s32 $0xFFFFF800  }
0x58: {  	_ =	swait.ge [sflag:s12], $0x800  }
0x59: {  	[sflag:s12] =	ssyncset.done $0x0  }
0x5a: {  	[sflag:s12] =	ssyncadd.s32 $0xFFFFF800  }
0x5b: {  	_ =	swait.ge [sflag:s12], $0x800  }
0x5c: {  	[sflag:s12] =	ssyncset.done $0x0  }
0x5d: {  	[sflag:s12] =	ssyncadd.s32 $0xFFFFF800  }
0x5e: {  	_ =	swait.ge [sflag:s12], $0x800  }
0x5f: {  	[sflag:s12] =	ssyncset.done $0x0  }
0x60: {  	[sflag:s12] =	ssyncadd.s32 $0xFFFFF800  }
0x61: {  	_ =	swait.ge [sflag:s12], $0x800  }
0x62: {  	[sflag:s12] =	ssyncset.done $0x0  }
0x63: {  	[sflag:s12] =	ssyncadd.s32 $0xFFFFF800  }
0x64: {  	_ =	swait.ge [sflag:s12], $0x800  }
0x65: {  	[sflag:s12] =	ssyncset.done $0x0  }
0x66: {  	[sflag:s12] =	ssyncadd.s32 $0xFFFFF800  }
0x67: {  	_ =	swait.ge [sflag:s12], $0x800  }
0x68: {  	[sflag:s12] =	ssyncset.done $0x0  }
0x69: {  	[sflag:s12] =	ssyncadd.s32 $0xFFFFF800  }
0x6a: {  	_ =	swait.ge [sflag:s12], $0x800  }
0x6b: {  	[sflag:s12] =	ssyncset.done $0x0  }
0x6c: {  	[sflag:s12] =	ssyncadd.s32 $0xFFFFF800  }
0x6d: {  	_ =	swait.ge [sflag:s12], $0x800  }
0x6e: {  	[sflag:s12] =	ssyncset.done $0x0  }
0x6f: {  	[sflag:s12] =	ssyncadd.s32 $0xFFFFF800  }
0x70: {  	_ =	swait.ge [sflag:s12], $0x800  }
0x71: {  	[sflag:s12] =	ssyncset.done $0x0  }
0x72: {  	[sflag:s12] =	ssyncadd.s32 $0xFFFFF800  }
0x73: {  	_ =	swait.ge [sflag:s12], $0x800  }
0x74: {  	[sflag:s12] =	ssyncset.done $0x0  }
0x75: {  	[sflag:s12] =	ssyncadd.s32 $0xFFFFF800  }
0x76: {  	_ =	swait.ge [sflag:s12], $0x800  }
0x77: {  	[sflag:s12] =	ssyncset.done $0x0  }
0x78: {  	[sflag:s12] =	ssyncadd.s32 $0xFFFFF800  }
0x79: {  	_ =	swait.ge [sflag:s12], $0x800  }
0x7a: {  	[sflag:s12] =	ssyncset.done $0x0  }
0x7b: {  	[sflag:s12] =	ssyncadd.s32 $0xFFFFF800  }
0x7c: {  	_ =	swait.ge [sflag:s12], $0x800  }
0x7d: {  	[sflag:s12] =	ssyncset.done $0x0  }
0x7e: {  	[sflag:s12] =	ssyncadd.s32 $0xFFFFF800  }
0x7f: {  	_ =	swait.ge [sflag:s12], $0x800  }
0x80: {  	[sflag:s12] =	ssyncset.done $0x0  }
0x81: {  	s23 =	rddreg [dreg:$0x9];
	[sflag:s12] =	ssyncadd.s32 $0xFFFFF800  }
0x82: {  	[hbm4b:s23+s2] =	stream.linear.scatter [tilespmem:s7], [sflag:$0x2], $0x2000, $0x38;
	[tilespmem:$0x8800] =	vst v63  }
0x83: {  	_ =	swait.ge [sflag:s3], $0x2000  }
0x84: {  	[sflag:s3] =	ssyncset.done $0x0  }
0x85: {  	s1 =	rddreg [dreg:$0xa];
	[sflag:s3] =	ssyncadd.s32 $0xFFFFE000  }
0x86: {  	[hbm4b:s1+s2] =	stream.linear.scatter [tilespmem:s6], [sflag:$0x2], $0x2000, $0x38;
	[tilespmem:$0x8800] =	vst v63  }
0x87: {  	_ =	swait.ge [sflag:s3], $0x2000  }
0x88: {  	[sflag:s3] =	ssyncset.done $0x0  }
0x89: {  	s18 =	rddreg [dreg:$0xb];
	[sflag:s3] =	ssyncadd.s32 $0xFFFFE000  }
0x8a: {  	[hbm4b:s18+s2] =	stream.linear.scatter [tilespmem:s5], [sflag:$0x2], $0x2000, $0x38;
	[tilespmem:$0x8800] =	vst v63  }
0x8b: {  	p1 =	sne.s32 s17, $0x1;
	_ =	swait.ge [sflag:s3], $0x2000  }
.Ltmp1:
0x8c: {  	[sflag:s3] =	ssyncset.done $0x0;
	(pc) =	sbr.rel @!p1 .LBB2_3-.Ltmp1, $4  }
0x8d: {  	s23 =	rddreg [dreg:$0xc];
	[sflag:s3] =	ssyncadd.s32 $0xFFFFE000  }
0x8e: {  	[hbm4b:s23+s2] =	stream.linear.scatter [tilespmem:s4], [sflag:$0x2], $0x2000, $0x38;
	[tilespmem:$0x8800] =	vst v63  }
0x8f: {  	p0 =	por $0x1, $0x1;
	s0 =	sadd.s32 $0xFFFFFFFF, s17;
	_ =	swait.ge [sflag:s3], $0x2000  }
0x90: {  	s23 =	simm.s32 $0x8000;
	s1 =	rddreg [dreg:$0x5];
	[sflag:s3] =	ssyncset.done $0x0  }
.LBB2_4:
0x91: {  	[sflag:s3] =	ssyncadd.s32 $0xFFFFE000  }
0x92: {  	[tilespmem:s2], [sflag:$0x2] =	stream.linear.gather [hbm4b:s1+s2], $0x200, $0x38;
	[tilespmem:$0x8800] =	vst v63  }
0x93: {  	_ =	swait.ge [sflag:s3], $0x200  }
0x94: {  	[sflag:s3] =	ssyncset.done $0x0  }
0x95: {  	s19 =	rddreg [dreg:$0x6];
	[sflag:s3] =	ssyncadd.s32 $0xFFFFFE00  }
0x96: {  	[tilespmem:s14], [sflag:$0x2] =	stream.linear.gather [hbm4b:s19+s2], $0x200, $0x38;
	[tilespmem:$0x8800] =	vst v63  }
0x97: {  	_ =	swait.ge [sflag:s3], $0x200  }
0x98: {  	[sflag:s3] =	ssyncset.done $0x0  }
0x99: {  	s20 =	rddreg [dreg:$0x7];
	[sflag:s3] =	ssyncadd.s32 $0xFFFFFE00  }
0x9a: {  	[tilespmem:s15], [sflag:$0x2] =	stream.linear.gather [hbm4b:s20+s2], $0x200, $0x38;
	[tilespmem:$0x8800] =	vst v63  }
0x9b: {  	_ =	swait.ge [sflag:s3], $0x200  }
0x9c: {  	[sflag:s3] =	ssyncset.done $0x0  }
0x9d: {  	s21 =	rddreg [dreg:$0x8];
	[sflag:s3] =	ssyncadd.s32 $0xFFFFFE00  }
0x9e: {  	[tilespmem:s16], [sflag:$0x2] =	stream.linear.gather [hbm4b:s21+s2], $0x200, $0x38;
	[tilespmem:$0x8800] =	vst v63  }
0x9f: {  	_ =	swait.ge [sflag:s3], $0x200  }
0xa0: {  	[sflag:s3] =	ssyncset.done $0x0  }
0xa1: {  	s1 =	rddreg [dreg:$0x15];
	[sflag:s3] =	ssyncadd.s32 $0xFFFFFE00  }
0xa2: {  	[tilespmem:s7], [sflag:$0x1] =	stream.indirect.gather [hbm4b:s8+s13], $0x10, s2, s13, $0xb8;
	[tilespmem:$0x8800] =	vst v63  }
0xa3: {  	s17 =	rddreg [dreg:$0x13]  }
0xa4: {  	[tilespmem:s6], [sflag:$0x1] =	stream.indirect.gather [hbm4b:s9+s13], $0x10, s14, s13, $0xb8;
	[tilespmem:$0x8800] =	vst v63  }
0xa5: {  	s18 =	rddreg [dreg:$0x11]  }
0xa6: {  	[tilespmem:s5], [sflag:$0x1] =	stream.indirect.gather [hbm4b:s10+s13], $0x10, s15, s13, $0xb8;
	[tilespmem:$0x8800] =	vst v63  }
0xa7: {  	s19 =	rddreg [dreg:$0xf]  }
0xa8: {  	[tilespmem:s4], [sflag:$0x1] =	stream.indirect.gather [hbm4b:s11+s13], $0x10, s16, s13, $0xb8;
	[tilespmem:$0x8800] =	vst v63  }
0xa9: {  	s20 =	rddreg [dreg:$0xd]  }
0xaa: {  	[tilespmem:s20], [sflag:$0x1] =	stream.indirect.gather [hbm4b:s8+s13], $0x10, s13, s13, $0xb8;
	[tilespmem:$0x8800] =	vst v63  }
0xab: {  	s21 =	rddreg [dreg:$0xe]  }
0xac: {  	[tilespmem:s19], [sflag:$0x1] =	stream.indirect.gather [hbm4b:s9+s13], $0x10, s21, s13, $0xb8;
	[tilespmem:$0x8800] =	vst v63  }
0xad: {  	s20 =	rddreg [dreg:$0x10]  }
0xae: {  	[tilespmem:s18], [sflag:$0x1] =	stream.indirect.gather [hbm4b:s10+s13], $0x10, s20, s13, $0xb8;
	[tilespmem:$0x8800] =	vst v63  }
0xaf: {  	s19 =	rddreg [dreg:$0x12]  }
0xb0: {  	[tilespmem:s17], [sflag:$0x1] =	stream.indirect.gather [hbm4b:s11+s13], $0x10, s19, s13, $0xb8;
	[tilespmem:$0x8800] =	vst v63  }
0xb1: {  	s18 =	rddreg [dreg:$0x14]  }
0xb2: {  	[tilespmem:s1], [sflag:$0x1] =	stream.indirect.gather [hbm4b:s8+s13], $0x10, s18, s13, $0xb8;
	[tilespmem:$0x8800] =	vst v63  }
0xb3: {  	s20 =	simm.s32 $0x3800;
	s19 =	simm.s32 $0x300  }
0xb4: {  	[tilespmem:s20], [sflag:$0x1] =	stream.indirect.gather [hbm4b:s9+s13], $0x10, s19, s13, $0xb8;
	[tilespmem:$0x8800] =	vst v63  }
0xb5: {  	s21 =	simm.s32 $0x500;
	s17 =	simm.s32 $0x5800  }
0xb6: {  	[tilespmem:s17], [sflag:$0x1] =	stream.indirect.gather [hbm4b:s10+s13], $0x10, s21, s13, $0xb8;
	[tilespmem:$0x8800] =	vst v63  }
0xb7: {  	s18 =	simm.s32 $0x700  }
0xb8: {  	[tilespmem:s24], [sflag:$0x1] =	stream.indirect.gather [hbm4b:s11+s13], $0x10, s18, s13, $0xb8;
	[tilespmem:$0x8800] =	vst v63  }
0xb9: {  	_ = 	snop  }
0xba: {  	[tilespmem:s26], [sflag:$0x1] =	stream.indirect.gather [hbm4b:s8+s13], $0x10, s25, s13, $0xb8;
	[tilespmem:$0x8800] =	vst v63  }
0xbb: {  	_ = 	snop  }
0xbc: {  	[tilespmem:s29], [sflag:$0x1] =	stream.indirect.gather [hbm4b:s9+s13], $0x10, s28, s13, $0xb8;
	[tilespmem:$0x8800] =	vst v63  }
0xbd: {  	_ = 	snop  }
0xbe: {  	[tilespmem:s31], [sflag:$0x1] =	stream.indirect.gather [hbm4b:s10+s13], $0x10, s30, s13, $0xb8;
	[tilespmem:$0x8800] =	vst v63  }
0xbf: {  	_ = 	snop  }
0xc0: {  	[tilespmem:s23], [sflag:$0x1] =	stream.indirect.gather [hbm4b:s11+s13], $0x10, s22, s13, $0xb8;
	[tilespmem:$0x8800] =	vst v63  }
0xc1: {  	_ =	swait.ge [sflag:s12], $0x800  }
0xc2: {  	[sflag:s12] =	ssyncset.done $0x0  }
0xc3: {  	[sflag:s12] =	ssyncadd.s32 $0xFFFFF800  }
0xc4: {  	_ =	swait.ge [sflag:s12], $0x800  }
0xc5: {  	[sflag:s12] =	ssyncset.done $0x0  }
0xc6: {  	[sflag:s12] =	ssyncadd.s32 $0xFFFFF800  }
0xc7: {  	_ =	swait.ge [sflag:s12], $0x800  }
0xc8: {  	[sflag:s12] =	ssyncset.done $0x0  }
0xc9: {  	[sflag:s12] =	ssyncadd.s32 $0xFFFFF800  }
0xca: {  	_ =	swait.ge [sflag:s12], $0x800  }
0xcb: {  	[sflag:s12] =	ssyncset.done $0x0  }
0xcc: {  	[sflag:s12] =	ssyncadd.s32 $0xFFFFF800  }
0xcd: {  	_ =	swait.ge [sflag:s12], $0x800  }
0xce: {  	[sflag:s12] =	ssyncset.done $0x0  }
0xcf: {  	[sflag:s12] =	ssyncadd.s32 $0xFFFFF800  }
0xd0: {  	_ =	swait.ge [sflag:s12], $0x800  }
0xd1: {  	[sflag:s12] =	ssyncset.done $0x0  }
0xd2: {  	[sflag:s12] =	ssyncadd.s32 $0xFFFFF800  }
0xd3: {  	_ =	swait.ge [sflag:s12], $0x800  }
0xd4: {  	[sflag:s12] =	ssyncset.done $0x0  }
0xd5: {  	[sflag:s12] =	ssyncadd.s32 $0xFFFFF800  }
0xd6: {  	_ =	swait.ge [sflag:s12], $0x800  }
0xd7: {  	[sflag:s12] =	ssyncset.done $0x0  }
0xd8: {  	[sflag:s12] =	ssyncadd.s32 $0xFFFFF800  }
0xd9: {  	_ =	swait.ge [sflag:s12], $0x800  }
0xda: {  	[sflag:s12] =	ssyncset.done $0x0  }
0xdb: {  	[sflag:s12] =	ssyncadd.s32 $0xFFFFF800  }
0xdc: {  	_ =	swait.ge [sflag:s12], $0x800  }
0xdd: {  	[sflag:s12] =	ssyncset.done $0x0  }
0xde: {  	[sflag:s12] =	ssyncadd.s32 $0xFFFFF800  }
0xdf: {  	_ =	swait.ge [sflag:s12], $0x800  }
0xe0: {  	[sflag:s12] =	ssyncset.done $0x0  }
0xe1: {  	[sflag:s12] =	ssyncadd.s32 $0xFFFFF800  }
0xe2: {  	_ =	swait.ge [sflag:s12], $0x800  }
0xe3: {  	[sflag:s12] =	ssyncset.done $0x0  }
0xe4: {  	[sflag:s12] =	ssyncadd.s32 $0xFFFFF800  }
0xe5: {  	_ =	swait.ge [sflag:s12], $0x800  }
0xe6: {  	[sflag:s12] =	ssyncset.done $0x0  }
0xe7: {  	[sflag:s12] =	ssyncadd.s32 $0xFFFFF800  }
0xe8: {  	_ =	swait.ge [sflag:s12], $0x800  }
0xe9: {  	[sflag:s12] =	ssyncset.done $0x0  }
0xea: {  	[sflag:s12] =	ssyncadd.s32 $0xFFFFF800  }
0xeb: {  	_ =	swait.ge [sflag:s12], $0x800  }
0xec: {  	[sflag:s12] =	ssyncset.done $0x0  }
0xed: {  	[sflag:s12] =	ssyncadd.s32 $0xFFFFF800  }
0xee: {  	_ =	swait.ge [sflag:s12], $0x800  }
0xef: {  	[sflag:s12] =	ssyncset.done $0x0  }
0xf0: {  	s17 =	rddreg [dreg:$0x9];
	[sflag:s12] =	ssyncadd.s32 $0xFFFFF800  }
0xf1: {  	[hbm4b:s17+s2] =	stream.linear.scatter [tilespmem:s7], [sflag:$0x2], $0x2000, $0x38;
	[tilespmem:$0x8800] =	vst v63  }
0xf2: {  	_ =	swait.ge [sflag:s3], $0x2000  }
0xf3: {  	[sflag:s3] =	ssyncset.done $0x0  }
0xf4: {  	s18 =	rddreg [dreg:$0xa];
	[sflag:s3] =	ssyncadd.s32 $0xFFFFE000  }
0xf5: {  	[hbm4b:s18+s2] =	stream.linear.scatter [tilespmem:s6], [sflag:$0x2], $0x2000, $0x38;
	[tilespmem:$0x8800] =	vst v63  }
0xf6: {  	_ =	swait.ge [sflag:s3], $0x2000  }
0xf7: {  	[sflag:s3] =	ssyncset.done $0x0  }
0xf8: {  	s17 =	rddreg [dreg:$0xb];
	[sflag:s3] =	ssyncadd.s32 $0xFFFFE000  }
0xf9: {  	[hbm4b:s17+s2] =	stream.linear.scatter [tilespmem:s5], [sflag:$0x2], $0x2000, $0x38;
	[tilespmem:$0x8800] =	vst v63  }
0xfa: {  	p1 =	sne.s32 s0, $0x1;
	_ =	swait.ge [sflag:s3], $0x2000  }
.Ltmp2:
0xfb: {  	[sflag:s3] =	ssyncset.done $0x0;
	(pc) =	sbr.rel @p1 .LBB2_4-.Ltmp2, $4  }
0xfc: {  	s18 =	rddreg [dreg:$0xc];
	[sflag:s3] =	ssyncadd.s32 $0xFFFFE000  }
0xfd: {  	[hbm4b:s18+s2] =	stream.linear.scatter [tilespmem:s4], [sflag:$0x2], $0x2000, $0x38;
	[tilespmem:$0x8800] =	vst v63  }
0xfe: {  	_ =	swait.ge [sflag:s3], $0x2000  }
0xff: {  	s0 =	sadd.s32 $0xFFFFFFFF, s0;
	s1 =	rddreg [dreg:$0x5];
	[sflag:s3] =	ssyncset.done $0x0  }
0x100: {  	s18 =	simm.s32 $0x780;
	s31 =	simm.s32 $0x6000  }
0x101: {  	s30 =	simm.s32 $0x580;
	s29 =	simm.s32 $0x4000;
	s28 =	simm.s32 $0x380  }
0x102: {  	s26 =	simm.s32 $0x2000;
	s25 =	simm.s32 $0x180;
	s24 =	simm.s32 $0x7800  }
0x103: {  	s23 =	simm.s32 $0x700;
	s22 =	simm.s32 $0x5800;
	s17 =	stileid.u32  }
.LBB2_6:
0x104: {  	[sflag:s3] =	ssyncadd.s32 @p0 $0xFFFFE000  }
0x105: {  	[tilespmem:s2], [sflag:$0x2] =	stream.linear.gather [hbm4b:s1+s2], $0x200, $0x38;
	[tilespmem:$0x8800] =	vst v63  }
0x106: {  	_ =	swait.ge [sflag:s3], $0x200  }
0x107: {  	[sflag:s3] =	ssyncset.done $0x0  }
0x108: {  	s0 =	rddreg [dreg:$0x6];
	[sflag:s3] =	ssyncadd.s32 $0xFFFFFE00  }
0x109: {  	[tilespmem:s14], [sflag:$0x2] =	stream.linear.gather [hbm4b:s0+s2], $0x200, $0x38;
	[tilespmem:$0x8800] =	vst v63  }
0x10a: {  	_ =	swait.ge [sflag:s3], $0x200  }
0x10b: {  	[sflag:s3] =	ssyncset.done $0x0  }
0x10c: {  	s1 =	rddreg [dreg:$0x7];
	[sflag:s3] =	ssyncadd.s32 $0xFFFFFE00  }
0x10d: {  	[tilespmem:s15], [sflag:$0x2] =	stream.linear.gather [hbm4b:s1+s2], $0x200, $0x38;
	[tilespmem:$0x8800] =	vst v63  }
0x10e: {  	_ =	swait.ge [sflag:s3], $0x200  }
0x10f: {  	[sflag:s3] =	ssyncset.done $0x0  }
0x110: {  	s1 =	rddreg [dreg:$0x8];
	[sflag:s3] =	ssyncadd.s32 $0xFFFFFE00  }
0x111: {  	[tilespmem:s16], [sflag:$0x2] =	stream.linear.gather [hbm4b:s1+s2], $0x200, $0x38;
	[tilespmem:$0x8800] =	vst v63  }
0x112: {  	_ =	swait.ge [sflag:s3], $0x200  }
0x113: {  	[sflag:s3] =	ssyncset.done $0x0  }
0x114: {  	[sflag:s3] =	ssyncadd.s32 $0xFFFFFE00  }
0x115: {  	[tilespmem:s7], [sflag:$0x1] =	stream.indirect.gather [hbm4b:s8+s13], $0x10, s2, s13, $0xb8;
	[tilespmem:$0x8800] =	vst v63  }
0x116: {  	s1 =	rddreg [dreg:$0xf]  }
0x117: {  	[tilespmem:s6], [sflag:$0x1] =	stream.indirect.gather [hbm4b:s9+s13], $0x10, s14, s13, $0xb8;
	[tilespmem:$0x8800] =	vst v63  }
0x118: {  	s14 =	rddreg [dreg:$0xe]  }
0x119: {  	[tilespmem:s5], [sflag:$0x1] =	stream.indirect.gather [hbm4b:s10+s13], $0x10, s15, s13, $0xb8;
	[tilespmem:$0x8800] =	vst v63  }
0x11a: {  	s15 =	rddreg [dreg:$0xd]  }
0x11b: {  	[tilespmem:s4], [sflag:$0x1] =	stream.indirect.gather [hbm4b:s11+s13], $0x10, s16, s13, $0xb8;
	[tilespmem:$0x8800] =	vst v63  }
0x11c: {  	s16 =	rddreg [dreg:$0x10]  }
0x11d: {  	[tilespmem:s15], [sflag:$0x1] =	stream.indirect.gather [hbm4b:s8+s13], $0x10, s13, s13, $0xb8;
	[tilespmem:$0x8800] =	vst v63  }
0x11e: {  	s15 =	rddreg [dreg:$0x11]  }
0x11f: {  	[tilespmem:s1], [sflag:$0x1] =	stream.indirect.gather [hbm4b:s9+s13], $0x10, s14, s13, $0xb8;
	[tilespmem:$0x8800] =	vst v63  }
0x120: {  	s1 =	rddreg [dreg:$0x13]  }
0x121: {  	s14 =	rddreg [dreg:$0x12]  }
0x122: {  	[tilespmem:s15], [sflag:$0x1] =	stream.indirect.gather [hbm4b:s10+s13], $0x10, s16, s13, $0xb8;
	[tilespmem:$0x8800] =	vst v63  }
0x123: {  	s15 =	rddreg [dreg:$0x15]  }
0x124: {  	[tilespmem:s1], [sflag:$0x1] =	stream.indirect.gather [hbm4b:s11+s13], $0x10, s14, s13, $0xb8;
	[tilespmem:$0x8800] =	vst v63  }
0x125: {  	s16 =	rddreg [dreg:$0x14]  }
0x126: {  	[tilespmem:s15], [sflag:$0x1] =	stream.indirect.gather [hbm4b:s8+s13], $0x10, s16, s13, $0xb8;
	[tilespmem:$0x8800] =	vst v63  }
0x127: {  	_ = 	snop  }
0x128: {  	[tilespmem:s20], [sflag:$0x1] =	stream.indirect.gather [hbm4b:s9+s13], $0x10, s19, s13, $0xb8;
	[tilespmem:$0x8800] =	vst v63  }
0x129: {  	_ = 	snop  }
0x12a: {  	[tilespmem:s22], [sflag:$0x1] =	stream.indirect.gather [hbm4b:s10+s13], $0x10, s21, s13, $0xb8;
	[tilespmem:$0x8800] =	vst v63  }
0x12b: {  	_ = 	snop  }
0x12c: {  	[tilespmem:s24], [sflag:$0x1] =	stream.indirect.gather [hbm4b:s11+s13], $0x10, s23, s13, $0xb8;
	[tilespmem:$0x8800] =	vst v63  }
0x12d: {  	_ = 	snop  }
0x12e: {  	[tilespmem:s26], [sflag:$0x1] =	stream.indirect.gather [hbm4b:s8+s13], $0x10, s25, s13, $0xb8;
	[tilespmem:$0x8800] =	vst v63  }
0x12f: {  	_ = 	snop  }
0x130: {  	[tilespmem:s29], [sflag:$0x1] =	stream.indirect.gather [hbm4b:s9+s13], $0x10, s28, s13, $0xb8;
	[tilespmem:$0x8800] =	vst v63  }
0x131: {  	_ = 	snop  }
0x132: {  	[tilespmem:s31], [sflag:$0x1] =	stream.indirect.gather [hbm4b:s10+s13], $0x10, s30, s13, $0xb8;
	[tilespmem:$0x8800] =	vst v63  }
0x133: {  	s26 =	simm.s32 $0x8000  }
0x134: {  	[tilespmem:s26], [sflag:$0x1] =	stream.indirect.gather [hbm4b:s11+s13], $0x10, s18, s13, $0xb8;
	[tilespmem:$0x8800] =	vst v63  }
0x135: {  	_ =	swait.ge [sflag:s12], $0x800  }
0x136: {  	[sflag:s12] =	ssyncset.done $0x0  }
0x137: {  	[sflag:s12] =	ssyncadd.s32 $0xFFFFF800  }
0x138: {  	_ =	swait.ge [sflag:s12], $0x800  }
0x139: {  	[sflag:s12] =	ssyncset.done $0x0  }
0x13a: {  	[sflag:s12] =	ssyncadd.s32 $0xFFFFF800  }
0x13b: {  	_ =	swait.ge [sflag:s12], $0x800  }
0x13c: {  	[sflag:s12] =	ssyncset.done $0x0  }
0x13d: {  	[sflag:s12] =	ssyncadd.s32 $0xFFFFF800  }
0x13e: {  	_ =	swait.ge [sflag:s12], $0x800  }
0x13f: {  	[sflag:s12] =	ssyncset.done $0x0  }
0x140: {  	[sflag:s12] =	ssyncadd.s32 $0xFFFFF800  }
0x141: {  	_ =	swait.ge [sflag:s12], $0x800  }
0x142: {  	[sflag:s12] =	ssyncset.done $0x0  }
0x143: {  	[sflag:s12] =	ssyncadd.s32 $0xFFFFF800  }
0x144: {  	_ =	swait.ge [sflag:s12], $0x800  }
0x145: {  	[sflag:s12] =	ssyncset.done $0x0  }
0x146: {  	[sflag:s12] =	ssyncadd.s32 $0xFFFFF800  }
0x147: {  	_ =	swait.ge [sflag:s12], $0x800  }
0x148: {  	[sflag:s12] =	ssyncset.done $0x0  }
0x149: {  	[sflag:s12] =	ssyncadd.s32 $0xFFFFF800  }
0x14a: {  	_ =	swait.ge [sflag:s12], $0x800  }
0x14b: {  	[sflag:s12] =	ssyncset.done $0x0  }
0x14c: {  	[sflag:s12] =	ssyncadd.s32 $0xFFFFF800  }
0x14d: {  	_ =	swait.ge [sflag:s12], $0x800  }
0x14e: {  	[sflag:s12] =	ssyncset.done $0x0  }
0x14f: {  	[sflag:s12] =	ssyncadd.s32 $0xFFFFF800  }
0x150: {  	_ =	swait.ge [sflag:s12], $0x800  }
0x151: {  	[sflag:s12] =	ssyncset.done $0x0  }
0x152: {  	[sflag:s12] =	ssyncadd.s32 $0xFFFFF800  }
0x153: {  	_ =	swait.ge [sflag:s12], $0x800  }
0x154: {  	[sflag:s12] =	ssyncset.done $0x0  }
0x155: {  	[sflag:s12] =	ssyncadd.s32 $0xFFFFF800  }
0x156: {  	_ =	swait.ge [sflag:s12], $0x800  }
0x157: {  	[sflag:s12] =	ssyncset.done $0x0  }
0x158: {  	[sflag:s12] =	ssyncadd.s32 $0xFFFFF800  }
0x159: {  	_ =	swait.ge [sflag:s12], $0x800  }
0x15a: {  	[sflag:s12] =	ssyncset.done $0x0  }
0x15b: {  	[sflag:s12] =	ssyncadd.s32 $0xFFFFF800  }
0x15c: {  	_ =	swait.ge [sflag:s12], $0x800  }
0x15d: {  	[sflag:s12] =	ssyncset.done $0x0  }
0x15e: {  	[sflag:s12] =	ssyncadd.s32 $0xFFFFF800  }
0x15f: {  	_ =	swait.ge [sflag:s12], $0x800  }
0x160: {  	[sflag:s12] =	ssyncset.done $0x0  }
0x161: {  	[sflag:s12] =	ssyncadd.s32 $0xFFFFF800  }
0x162: {  	_ =	swait.ge [sflag:s12], $0x800  }
0x163: {  	[sflag:s12] =	ssyncset.done $0x0  }
0x164: {  	s28 =	rddreg [dreg:$0x9];
	[sflag:s12] =	ssyncadd.s32 $0xFFFFF800  }
0x165: {  	[hbm4b:s28+s2] =	stream.linear.scatter [tilespmem:s7], [sflag:$0x2], $0x2000, $0x38;
	[tilespmem:$0x8800] =	vst v63  }
0x166: {  	_ =	swait.ge [sflag:s3], $0x2000  }
0x167: {  	[sflag:s3] =	ssyncset.done $0x0  }
0x168: {  	s29 =	rddreg [dreg:$0xa];
	[sflag:s3] =	ssyncadd.s32 $0xFFFFE000  }
0x169: {  	[hbm4b:s29+s2] =	stream.linear.scatter [tilespmem:s6], [sflag:$0x2], $0x2000, $0x38;
	[tilespmem:$0x8800] =	vst v63  }
0x16a: {  	_ =	swait.ge [sflag:s3], $0x2000  }
0x16b: {  	[sflag:s3] =	ssyncset.done $0x0  }
0x16c: {  	s30 =	rddreg [dreg:$0xb];
	[sflag:s3] =	ssyncadd.s32 $0xFFFFE000  }
0x16d: {  	[hbm4b:s30+s2] =	stream.linear.scatter [tilespmem:s5], [sflag:$0x2], $0x2000, $0x38;
	[tilespmem:$0x8800] =	vst v63  }
0x16e: {  	_ =	swait.ge [sflag:s3], $0x2000  }
0x16f: {  	[sflag:s3] =	ssyncset.done $0x0  }
0x170: {  	s31 =	rddreg [dreg:$0xc];
	[sflag:s3] =	ssyncadd.s32 $0xFFFFE000  }
0x171: {  	[hbm4b:s31+s2] =	stream.linear.scatter [tilespmem:s4], [sflag:$0x2], $0x2000, $0x38;
	[tilespmem:$0x8800] =	vst v63  }
0x172: {  	_ =	swait.ge [sflag:s3], $0x2000  }
0x173: {  	[sflag:s3] =	ssyncset.done $0x0  }
0x174: {  	[sflag:s3] =	ssyncadd.s32 $0xFFFFE000  }
0x175: {  	_ =	sfence.sel $0x180000  }
0x176: {  	[bflag:$0x0] =	sbarrier.arrive $0xFFFF  }
0x177: {  	_ =	strace $0x90000053  }
0x178: {  	[bflag:$0x2] =	sbarrier.arrive $0xFFFF  }
0x179: {  	p0 =	sne.s32 s17, $0x0;
	s0 =	rddreg [dreg:$0x4]  }
0x17a: {  	s0 =	sadd.s32 @!p0 $0x100000, s0  }
0x17b: {  	[sflag:s0] =	ssyncadd.tile.s32 @!p0 $0x1;
	_ =	shalt  }
.LBB2_1:
.Ltmp3:
0x17c: {  	(pc) =	sbr.rel .LBB2_6-.Ltmp3, $4  }
0x17d: {  	s18 =	simm.s32 $0x780  }
0x17e: {  	s31 =	simm.s32 $0x6000;
	s30 =	simm.s32 $0x580;
	s29 =	simm.s32 $0x4000  }
0x17f: {  	s28 =	simm.s32 $0x380;
	s26 =	simm.s32 $0x2000;
	s25 =	simm.s32 $0x180  }
0x180: {  	s24 =	simm.s32 $0x7800;
	s23 =	simm.s32 $0x700;
	s22 =	simm.s32 $0x5800  }
.LBB2_3:
.Ltmp4:
0x181: {  	(pc) =	sbr.rel .LBB2_6-.Ltmp4, $4  }
0x182: {  	s18 =	simm.s32 $0x780;
	s31 =	simm.s32 $0x6000  }
0x183: {  	s30 =	simm.s32 $0x580;
	s29 =	simm.s32 $0x4000;
	s28 =	simm.s32 $0x380  }
0x184: {  	s26 =	simm.s32 $0x2000;
	s25 =	simm.s32 $0x180;
	s24 =	simm.s32 $0x7800  }
0x185: {  	s23 =	simm.s32 $0x700;
	s22 =	simm.s32 $0x5800;
	s17 =	stileid.u32  }
.Lfunc_end2:
_tile_overlayer_lowered:
.L_overlay_start_2:
0x186: {  	(tag) =	ssettag $0x2  }
0x187: {  	s0 =	rddreg [dreg:$0x0];
	s2 =	stileid.u32  }
0x188: {  	s1 =	rddreg [dreg:$0x1];
	p0 =	sne.s32 s2, $0x0  }
0x189: {  	s3 =	rddreg [dreg:$0x2];
	[bflag:$0x3] =	sbarrier.arrive $0xFFFF;
	s2 =	simm.s32 @!p0 $0x1C02  }
0x18a: {  	[timem:s3], [sflag:s2] =	dma.local @!p0 [hbm:s0], s1  }
0x18b: {  	s0 =	simm.s32 @!p0 $0x2  }
0x18c: {  	_ =	swait.ge @!p0 [sflag:s0], s1  }
0x18d: {  	s1 =	ssub.s32 @!p0 $0x0, s1;
	[sflag:s0] =	ssyncset.done @!p0 $0x0  }
0x18e: {  	[sflag:s0] =	ssyncadd.s32 @!p0 s1  }
0x18f: {  	[bflag:$0x3] =	sbarrier.arrive $0xFFFF  }
0x190: {  	_ =	shalt  }

// kernel: sparse-core-data-format-call.1.cloned.1.call-start
scs
called_computation.1_lowered:
.L_overlay_start_0:
0x0: {  	s2 =	sld [smem:$0x3FD9]  }
0x1: {  	s3 =	sld [smem:$0x3FFE];
	_ =	sdelay $0x1  }
0x2: {  	s1 =	srdreg.scid  }
0x3: {  	s0 =	sand.u32 $0x1, s1  }
0x4: {  	s18 =	sshll.u32 s0, $0xA;
	s2 =	sadd.s32 s3, s2  }
0x5: {  	s2 =	sadd.s32 s2, s18  }
0x6: {  	[smem:$0x3FBC] =	sst s2  }
0x7: {  	_ = 	snop  }
0x8: {  	(tm) =	ssettm $0x1  }
0x9: {  	s19 =	sld [smem:$0x3FFB];
	_ =	sdelay $0x3  }
0xa: {  	_ =	strace s19  }
0xb: {  	s2 =	sld [smem:$0x3FFC];
	_ =	sdelay $0x3  }
0xc: {  	_ =	strace s2  }
0xd: {  	s2 =	sld [smem:$0x3FFD];
	_ =	sdelay $0x3  }
0xe: {  	_ =	strace s2  }
0xf: {  	_ =	strace $0x8FFFFFFF  }
0x10: {  	s20 =	sld [smem:$0x3FDB];
	_ =	sdelay $0x1  }
0x11: {  	s21 =	simm.s32 $_scs_section_size  }
0x12: {  	s4 =	simm.s32 $_size__tile_overlayer_lowered;
	s5 =	simm.s32 $_tile_overlayer_lowered  }
0x13: {  	s6 =	simm.s32 $0x1BFF;
	s22 =	sshll.u32 s5, $0x1;
	s3 =	sadd.s32 s21, s20  }
0x14: {  	s23 =	simm.s32 $0x0;
	s4 =	sshll.u32 s4, $0x1;
	s5 =	sadd.s32 s22, s3  }
0x15: {  	[timem:s23], [sflag:s6] =	dma.local [hbm:s5], s4  }
0x16: {  	_ =	swait.ge [sflag:s6], s4  }
0x17: {  	s4 =	ssub.s32 $0x0, s4;
	[sflag:s6] =	ssyncset.done $0x0  }
0x18: {  	[sflag:s6] =	ssyncadd.s32 s4;
	_ =	sdelay $0x1  }
0x19: {  	s24 =	simm.s32 $0x1B8B  }
0x1a: {  	_ =	swait.ge [sflag:s24], $0x1  }
0x1b: {  	[sflag:s24] =	ssyncset.done $0x0  }
0x1c: {  	[sflag:s24] =	ssyncadd.s32 $0xFFFFFFFF  }
0x1d: {  	s4 =	sld [smem:$0x0]  }
0x1e: {  	s5 =	sand.u32 $0xFFFFFFFE, s1  }
0x1f: {  	p0 =	sne.s32 s1, s5  }
0x20: {  	s5 =	sshll.u32 @p0 s5, $0xE  }
0x21: {  	s5 =	sadd.s32 @p0 $0x11B8D, s5;
	s6 =	sshll.u32 @p0 s4, $0x11  }
0x22: {  	s5 =	sor.u32 @p0 s6, s5  }
0x23: {  	[sflag:s5] =	ssyncadd.remote.s32 @p0 $0x1;
	_ =	sdelay $0x1  }
0x24: {  	s5 =	simm.s32 @p0 $0x1B8D  }
0x25: {  	_ =	swait.eq @p0 [sflag:s5], $0x1  }
0x26: {  	[sflag:s5] =	ssyncadd.s32 @p0 $0xFFFFFFFF  }
0x27: {  	s6 =	sshll.u32 @!p0 s1, $0xE  }
0x28: {  	s6 =	sor.u32 @!p0 $0x4000, s6;
	s5 =	simm.s32 @!p0 $0x1B8D  }
0x29: {  	s4 =	sshll.u32 @!p0 s4, $0x11;
	s6 =	sadd.s32 @!p0 $0x11B8D, s6;
	_ =	swait.eq @!p0 [sflag:s5], $0x1  }
0x2a: {  	s4 =	sor.u32 @!p0 s4, s6;
	[sflag:s5] =	ssyncadd.s32 @!p0 $0xFFFFFFFF  }
0x2b: {  	s26 =	simm.s32 $0x1B8E;
	s25 =	sld [smem:$0x3FFE];
	[sflag:s4] =	ssyncadd.remote.s32 @!p0 $0x1  }
0x2c: {  	s27 =	simm.s32 $execute0_lowered;
	[smem:$0x3FD2] =	sst s26  }
0x2d: {  	s5 =	sshll.u32 s27, $0x1;
	_ =	strace $0x80000049;
	[dreg:$0x1] =	wrdreg $0xFFFFFFFF  }
0x2e: {  	s28 =	simm.s32 $_size_execute0_lowered;
	s3 =	sadd.s32 s3, s5;
	[dreg:$0x0] =	wrdreg $0x0  }
0x2f: {  	s5 =	sshll.u32 s28, $0x1;
	[dreg:$0x2] =	wrdreg s3  }
0x30: {  	[dreg:$0x3] =	wrdreg s5  }
0x31: {  	[dreg:$0x4] =	wrdreg $0xC0  }
0x32: {  	_ =	task [dreg:s23], $0x5FFFF  }
0x33: {  	[dreg:$0x1] =	wrdreg $0xFFFFFFFF  }
0x34: {  	[dreg:$0x0] =	wrdreg $0x60  }
0x35: {  	[dreg:$0x2] =	wrdreg s25  }
0x36: {  	[dreg:$0x3] =	wrdreg $0x9  }
0x37: {  	_ =	task.clear_ibuf [dreg:s23], $0x4FFFF;
	_ =	strace $0x90000049  }
0x38: {  	s29 =	simm.s32 $0x9;
	_ =	strace $0x8000004B  }
0x39: {  	_ =	swait.ge [sflag:s29], $0x1  }
0x3a: {  	[sflag:s29] =	ssyncadd.s32 $0xFFFFFFFF  }
0x3b: {  	_ =	strace $0x9000004B  }
0x3c: {  	_ =	sfence  }
0x3d: {  	s30 =	sld [smem:$0x0];
	_ =	sdelay $0x2  }
0x3e: {  	s31 =	sshll.u32 s1, $0xD;
	s1 =	sshrl.u32 s1, $0x2  }
0x3f: {  	s4 =	sand.u32 $0x4000, s31;
	s1 =	sadd.s32 s1, s30  }
0x40: {  	s0 =	sor.u32 s4, s0;
	s1 =	sshll.u32 s1, $0x11  }
0x41: {  	s0 =	sor.u32 s1, s0  }
0x42: {  	s0 =	sadd.s32 $0x8F2B, s0  }
0x43: {  	[sflag:s0] =	ssyncadd.remote.s32 $0x1  }
0x44: {  	_ =	sfence.sel $0xFFFF  }
0x45: {  	[dreg:$0x0] =	wrdreg $0xFFFFFFFF;
	(pc) =	sbr.abs _section_cstart, $3  }
0x46: {  	[dreg:$0x1] =	wrdreg $0xFFFFFFFF  }
0x47: {  	_ =	task.clear_ibuf [dreg:s23], $0x2FFFF;
	_ =	strace $0x9FFFFFFF  }
0x48: {  	(tm) =	ssettm $0x7FFFFFFF  }
0x49: {  	_ =	shalt  }
tec
execute0_lowered:
.L_overlay_start_1:
0x0: {  	(tag) =	ssettag $0x1  }
0x1: {  	s0 =	srdreg.scid  }
0x2: {  	s5 =	rddreg [dreg:$0x0];
	s1 =	stileid.u32;
	s4 =	simm.s32 $0x1  }
0x3: {  	s6 =	simm.s32 $0x2;
	s15 =	simm.s32 $0x0;
	p0 =	por $0x0, $0x0  }
0x4: {  	s8 =	simm.s32 $0x80;
	s14 =	simm.s32 $0x0;
	s2 =	sshll.u32 s0, $0x4  }
0x5: {  	s9 =	simm.s32 $0x0;
	s10 =	simm.s32 $0x0;
	s2 =	sand.u32 $0x10, s2  }
.Ltmp0:
0x6: {  	s12 =	simm.s32 $0x0;
	s3 =	sor.u32 s1, s2;
	(pc) =	sbr.rel .LBB1_1-.Ltmp0, $4  }
0x7: {  	s0 =	rddreg [dreg:$0x1];
	_ =	strace $0x8000004A;
	s3 =	sshll.u32 s3, $0x7  }
0x8: {  	s13 =	simm.s32 $0x0;
	[sflag:s4] =	ssyncpa.u1 $0x0;
	s7 =	ssub.s32 $0xF4200, s3  }
0x9: {  	s2 =	sadd.s32 $0x98B600, s5;
	[sflag:s6] =	ssyncpa.u1 $0x0;
	s6 =	sshrl.u32 s7, $0xC  }
0xa: {  	s5 =	sadd.s32 $0xB73C00, s5;
	s11 =	smov.u32 s3;
	s7 =	sadd.s32 $0x2, s6  }
.LBB1_5:
0xb: {  	p1 =	slt.u32 s13, $0x2  }
0xc: {  	s17 =	smov.u32 s15;
	p2 =	sgt.s32 @!p1 s15, $0xF41C0;
	s16 =	sshra.s32 @!p1 s15, $0x1F  }
0xd: {  	p3 =	sgt.s32 @!p1 s14, $0x60;
	s18 =	sshra.s32 @!p1 s14, $0x1F;
	p2 =	por !p2, p1  }
0xe: {  	s15 =	sand.u32 @!p1 s16, s15;
	p3 =	por !p3, p1;
	s16 =	smov.u32 s14  }
0xf: {  	s14 =	sand.u32 @!p1 s18, s14;
	s17 =	simm.s32 @p2 $0xF41C0;
	s16 =	simm.s32 @p3 $0x60  }
0x10: {  	s15 =	ssub.s32 @!p1 s17, s15;
	s14 =	ssub.s32 @!p1 s16, s14  }
0x11: {  	s18 =	smov.u32 s12;
	s16 =	sadd.s32 @!p1 $0xFFF0BE40, s15;
	s17 =	sadd.s32 @!p1 $0xFFFFFFA0, s14  }
0x12: {  	s15 =	ssub.s32 @!p1 $0xF4240, s15;
	p2 =	sgt.s32 @!p1 s16, $0x7F;
	p3 =	sgt.s32 @!p1 s17, $0x1F  }
0x13: {  	s14 =	ssub.s32 @!p1 $0x80, s14;
	p2 =	por !p2, p1;
	p3 =	por !p3, p1  }
0x14: {  	s16 =	sadd.s32 $0x1000, s11;
	s15 =	simm.s32 @!p2 $0x0;
	s14 =	simm.s32 @!p3 $0x0  }
0x15: {  	p2 =	sgt.s32 s16, $0xF423F;
	s14 =	smul.u32 @!p1 s14, s15;
	s15 =	sadd.s32 $0x20, s12  }
0x16: {  	s18 =	smov.u32 @p2 s15  }
0x17: {  	s16 =	smov.u32 @p2 s3;
	p2 =	sgt.s32 s18, $0x1F  }
0x18: {  	p0 =	por !p0, !p0;
	s18 =	simm.s32 @p2 $0x0;
	p2 =	sne.s32 s13, s7  }
.Ltmp1:
0x19: {  	s17 =	simm.s32 @!p1 $0x2;
	s14 =	sshrl.u32 @!p1 s14, $0x1;
	(pc) =	sbr.rel @!p2 .LBB1_6-.Ltmp1, $4  }
0x1a: {  	s15 =	smov.u32 s9;
	s9 =	smov.u32 s11;
	s14 =	sand.u32 @!p1 $0x3FFFFFFF, s14  }
0x1b: {  	s11 =	smov.u32 s16;
	s13 =	sadd.s32 $0x1, s13;
	_ =	swait.ge @!p1 [sflag:s17], s14  }
0x1c: {  	s19 =	ssub.s32 @!p1 $0x0, s14;
	s14 =	smov.u32 s10;
	[sflag:s17] =	ssyncset.done @!p1 $0x0  }
0x1d: {  	s10 =	smov.u32 s12;
	s12 =	smov.u32 s18;
	[sflag:s17] =	ssyncadd.s32 @!p1 s19  }
.LBB1_1:
0x1e: {  	p1 =	sgt.u32 s13, s6  }
0x1f: {  	s16 =	sshrl.u32 @!p1 s12, $0x3  }
0x20: {  	s17 =	sshll.u32 @!p1 s11, $0x3;
	s16 =	smul.u32 @!p1 $0x7A1400, s16  }
0x21: {  	s18 =	sshll.u32 @!p1 s12, $0x7;
	s17 =	sand.u32 @!p1 $0xFFFFFC00, s17  }
0x22: {  	s16 =	sadd.s32 @!p1 s16, s17;
	s17 =	sand.u32 @!p1 $0x300, s18;
	s18 =	sshll.u32 @!p1 s11, $0x1  }
0x23: {  	s16 =	sor.u32 @!p1 s17, s16;
	s17 =	sand.u32 @!p1 $0xFE, s18  }
0x24: {  	s18 =	sand.u32 @!p1 $0x1, s12;
	s16 =	sor.u32 @!p1 s17, s16  }
0x25: {  	s17 =	sor.u32 @!p1 s18, s16  }
0x26: {  	s18 =	smulhi.u32 @!p1 $0x218D6287, s17;
	_ =	sdelay $0x1  }
0x27: {  	s16 =	smulhi.u32 @!p1 $0x218D6287, s16;
	s18 =	sshrl.u32 @!p1 s18, $0x11  }
0x28: {  	s18 =	smul.u32 @!p1 $0xF4280, s18  }
0x29: {  	s16 =	sshrl.u32 @!p1 s16, $0x11  }
0x2a: {  	s16 =	sand.u32 @!p1 $0x1F, s16;
	s17 =	ssub.s32 @!p1 s17, s18  }
0x2b: {  	s16 =	smul.u32 @!p1 $0xF428, s16;
	s18 =	sshrl.u32 @!p1 s17, $0x4  }
0x2c: {  	s19 =	sxor.u32 @!p1 $0xFFFFFFFF, s13;
	s17 =	sshll.u32 @!p1 s17, $0x11;
	s18 =	sadd.s32 @!p1 s2, s18  }
0x2d: {  	s17 =	sand.u32 @!p1 $0x1C0000, s17;
	s16 =	sadd.s32 @!p1 s16, s18;
	s18 =	sshll.u32 @!p1 s19, $0xB  }
0x2e: {  	s17 =	sor.u32 @!p1 $0x200, s17;
	s19 =	simm.s32 @!p1 $0x3D0A00;
	s18 =	sand.u32 @!p1 $0x800, s18  }
0x2f: {  	[tilespmem:s18], [sflag:$0x1] =	stream.strided.gather @!p1 [hbm4b:s16+s17], $0x800, s19, s17, $0x38;
	[tilespmem:$0x2080] =	vst v63  }
0x30: {  	p1 =	seq.s32 s13, $0x0  }
0x31: {  	p2 =	sge.u32 @!p1 s13, s7  }
0x32: {  	p1 =	por p1, p2  }
.Ltmp2:
0x33: {  	_ = 	snop;
	(pc) =	sbr.rel @p1 .LBB1_5-.Ltmp2, $1  }
0x34: {  	_ =	sdelay $0x3  }
0x35: {  	s16 =	simm.s32 $0x1  }
0x36: {  	_ =	swait.ge [sflag:s4], $0x800;
	s16 =	simm.s32 @!p0 $0x0  }
0x37: {  	[sflag:s4] =	ssyncset.done $0x0;
	s16 =	sshll.u32 s16, $0xB  }
0x38: {  	[sflag:s4] =	ssyncadd.s32 $0xFFFFF800;
	s16 =	sor.u32 $0x40, s16  }
0x39: {  	v0 =	vld [tilespmem:s16+$0x20]  }
0x3a: {  	v1 =	vld [tilespmem:s16+$0x30]  }
0x3b: {  	v2 =	vld [tilespmem:s16+$0xFFFFFFD0]  }
0x3c: {  	v5 =	vld [tilespmem:s16+$0x0]  }
0x3d: {  	v6 =	vld [tilespmem:s16+$0x10]  }
0x3e: {  	s17 =	sand.u32 $0x1, s13;
	v3 =	vld [tilespmem:s16+$0xFFFFFFE0]  }
0x3f: {  	s17 =	smul.u32 $0x2100, s17;
	v4 =	vld [tilespmem:s16+$0xFFFFFFF0]  }
0x40: {  	s18 =	simm.s32 $0x0;
	v1 =	vperm.xlane.i2c.b16 v1  }
0x41: {  	s19 =	sand.u32 $0x1C, s18;
	s17 =	sshrl.u32 s17, $0x2;
	v8 =	vld [tilespmem:s16+$0xFFFFFFC0];
	s20 =	sadd.s32 $0x80, s16;
	v7 =	vperm.xlane.i2c.b16 v0;
	v0 =	vperm.xlane.i2c.b16 v2  }
0x42: {  	s30 =	sand.u32 $0x20, s18;
	s31 =	sshrl.u32 s19, $0x1;
	s16 =	sor.u32 $0x1000, s17;
	v11 =	vld [tilespmem:s20+$0x30];
	v10 =	vperm.xlane.i2c.b16 v5;
	v13 =	vperm.xlane.i2c.b16 v6  }
0x43: {  	s17 =	sshrl.u32 s30, $0x1;
	s18 =	sadd.s32 s31, s16;
	v2 =	vld [tilespmem:s20+$0x20];
	v3 =	vperm.xlane.i2c.b16 v3;
	v9 =	vcombine.low v7, v1  }
0x44: {  	v12 =	vld [tilespmem:s20+$0xFFFFFFD0];
	s17 =	sadd.s32 s17, s18;
	v4 =	vperm.xlane.i2c.b16 v4;
	v14 =	vcombine.low v10, v13  }
0x45: {  	v1 =	vcombine.high v7, v1;
	v7 =	vld [tilespmem:s20+$0xFFFFFFE0];
	[tilespmem:s17+$0x630 ss:$0x21] =	vst.msk $0xffff, v9  }
0x46: {  	v6 =	vld [tilespmem:s20+$0xFFFFFFF0];
	v5 =	vperm.xlane.i2c.b16 v8;
	v9 =	vcombine.low v3, v4;
	[tilespmem:s17+$0x420 ss:$0x21] =	vst.msk $0xffff, v14  }
0x47: {  	s18 =	simm.s32 $0x4;
	v8 =	vperm.xlane.i2c.b16 v11;
	[tilespmem:s17+$0x631 ss:$0x21] =	vst.msk $0xffff, v1;
	v1 =	vcombine.high v3, v4;
	v4 =	vld [tilespmem:s20+$0x0]  }
0x48: {  	s19 =	simm.s32 $0x2;
	s22 =	sand.u32 $0x1C, s18;
	v10 =	vcombine.high v10, v13;
	v3 =	vld [tilespmem:s20+$0x10];
	[tilespmem:s17+$0x210 ss:$0x21] =	vst.msk $0xffff, v9;
	v9 =	vperm.xlane.i2c.b16 v2  }
0x49: {  	s21 =	sand.u32 $0x20, s18;
	s22 =	sshrl.u32 s22, $0x1;
	v11 =	vcombine.low v5, v0;
	v2 =	vld [tilespmem:s20+$0xFFFFFFC0];
	s20 =	sadd.s32 $0x80, s20;
	[tilespmem:s17+$0x211 ss:$0x21] =	vst.msk $0xffff, v1;
	v1 =	vperm.xlane.i2c.b16 v12  }
.LBB1_3:
0x4a: {  	v12 =	vld [tilespmem:s20+$0x20];
	s22 =	sadd.s32 s22, s16;
	s21 =	sshrl.u32 s21, $0x1;
	v13 =	vperm.xlane.i2c.b16 v7;
	v7 =	vcombine.low v9, v8;
	[tilespmem:s17+$0x421 ss:$0x21] =	vst.msk $0xffff, v10  }
0x4b: {  	s19 =	sadd.s32 $0x2, s19;
	v14 =	vld [tilespmem:s20+$0x30];
	s21 =	sadd.s32 s21, s22;
	v10 =	vperm.xlane.i2c.b16 v6;
	v6 =	vcombine.high v9, v8;
	[tilespmem:s17+$0x0 ss:$0x21] =	vst.msk $0xffff, v11  }
0x4c: {  	p1 =	slt.u32 s19, $0x1E;
	v11 =	vld [tilespmem:s20+$0xFFFFFFD0];
	v8 =	vperm.xlane.i2c.b16 v4;
	[tilespmem:s21+$0x630 ss:$0x21] =	vst.msk $0xffff, v7;
	v4 =	vcombine.high v5, v0;
	v0 =	vmov v1  }
.Ltmp3:
0x4d: {  	v7 =	vld [tilespmem:s20+$0xFFFFFFE0];
	v1 =	vcombine.low v13, v10;
	v3 =	vperm.xlane.i2c.b16 v3;
	[tilespmem:s21+$0x631 ss:$0x21] =	vst.msk $0xffff, v6;
	(pc) =	sbr.rel @p1 .LBB1_3-.Ltmp3, $4  }
0x4e: {  	v6 =	vld [tilespmem:s20+$0xFFFFFFF0];
	v5 =	vperm.xlane.i2c.b16 v2;
	v2 =	vcombine.high v13, v10;
	[tilespmem:s17+$0x1 ss:$0x21] =	vst.msk $0xffff, v4;
	s17 =	smov.u32 s21  }
0x4f: {  	s18 =	sadd.s32 $0x4, s18;
	v4 =	vld [tilespmem:s20+$0x0];
	[tilespmem:s17+$0x210 ss:$0x21] =	vst.msk $0xffff, v1;
	v13 =	vcombine.low v8, v3;
	v10 =	vcombine.high v8, v3  }
0x50: {  	s22 =	sand.u32 $0x1C, s18;
	v9 =	vperm.xlane.i2c.b16 v12;
	v3 =	vld [tilespmem:s20+$0x10];
	v8 =	vperm.xlane.i2c.b16 v14;
	[tilespmem:s17+$0x211 ss:$0x21] =	vst.msk $0xffff, v2  }
0x51: {  	s22 =	sshrl.u32 s22, $0x1;
	s21 =	sand.u32 $0x20, s18;
	v2 =	vld [tilespmem:s20+$0xFFFFFFC0];
	v1 =	vperm.xlane.i2c.b16 v11;
	s20 =	sadd.s32 $0x80, s20;
	v11 =	vcombine.low v5, v0;
	[tilespmem:s17+$0x420 ss:$0x21] =	vst.msk $0xffff, v13  }
0x52: {  	s18 =	sadd.s32 s22, s16;
	s19 =	sshll.u32 s9, $0x7;
	s20 =	sshll.u32 s10, $0x3  }
0x53: {  	s21 =	sshrl.u32 s21, $0x1;
	s24 =	sshll.u32 s10, $0x1;
	p1 =	sgt.s32 s9, $0xF41C0  }
0x54: {  	s22 =	smov.u32 s9;
	s26 =	sshra.s32 s9, $0x1F;
	s23 =	sand.u32 $0xFFFFFC00, s19  }
0x55: {  	s20 =	sand.u32 $0xFFFFFC00, s20;
	s19 =	sand.u32 $0x300, s19;
	s25 =	sand.u32 $0x80, s24  }
0x56: {  	s18 =	sadd.s32 s21, s18;
	s22 =	simm.s32 @!p1 $0xF41C0;
	p1 =	sgt.s32 s10, $0x60  }
0x57: {  	s21 =	smov.u32 s10;
	s20 =	sadd.s32 s20, s23;
	s23 =	sshra.s32 s10, $0x1F  }
0x58: {  	s21 =	simm.s32 @!p1 $0x60;
	s19 =	sor.u32 s19, s20;
	s20 =	sand.u32 s26, s9  }
0x59: {  	v7 =	vperm.xlane.i2c.b16 v7;
	[tilespmem:s17+$0x421 ss:$0x21] =	vst.msk $0xffff, v10;
	v0 =	vcombine.high v5, v0;
	s23 =	sand.u32 s23, s10;
	s19 =	sor.u32 s25, s19;
	s20 =	ssub.s32 s22, s20  }
0x5a: {  	v57 =	vcombine.low v9, v8;
	v6 =	vperm.xlane.i2c.b16 v6;
	[tilespmem:s17+$0x0 ss:$0x21] =	vst.msk $0xffff, v11;
	s21 =	ssub.s32 s21, s23;
	s19 =	sshrl.u32 s19, $0x7;
	s22 =	sadd.s32 $0xFFF0BE40, s20  }
0x5b: {  	v58 =	vcombine.high v9, v8;
	v4 =	vperm.xlane.i2c.b16 v4;
	[tilespmem:s17+$0x1 ss:$0x21] =	vst.msk $0xffff, v0;
	s23 =	sadd.s32 $0xFFFFFFA0, s21;
	s20 =	ssub.s32 $0xF4240, s20;
	s21 =	ssub.s32 $0x80, s21  }
0x5c: {  	[tilespmem:s18+$0x630 ss:$0x21] =	vst.msk $0xffff, v57;
	v59 =	vcombine.low v7, v6;
	v3 =	vperm.xlane.i2c.b16 v3;
	s27 =	smulhi.u32 $0x218DEF5, s19;
	p1 =	sgt.s32 s22, $0x7F;
	p2 =	sgt.s32 s23, $0x1F  }
0x5d: {  	[tilespmem:s18+$0x631 ss:$0x21] =	vst.msk $0xffff, v58;
	v60 =	vcombine.high v7, v6;
	s20 =	simm.s32 @p1 $0x0;
	s21 =	simm.s32 @p2 $0x0  }
0x5e: {  	v2 =	vperm.xlane.i2c.b16 v2;
	[tilespmem:s18+$0x210 ss:$0x21] =	vst.msk $0xffff, v59;
	v61 =	vcombine.low v4, v3;
	s17 =	sshrl.u32 s27, $0xD;
	s20 =	smul.u32 s21, s20  }
0x5f: {  	v3 =	vcombine.high v4, v3;
	[tilespmem:s18+$0x211 ss:$0x21] =	vst.msk $0xffff, v60;
	s17 =	smul.u32 $0xF4240, s17  }
.Ltmp4:
0x60: {  	s28 =	sshrl.u32 s10, $0x3;
	s29 =	sand.u32 $0x7, s10;
	v62 =	vcombine.low v2, v1;
	[tilespmem:s18+$0x420 ss:$0x21] =	vst.msk $0xffff, v61;
	(pc) =	sbr.rel .LBB1_5-.Ltmp4, $4  }
0x61: {  	v63 =	vcombine.high v2, v1;
	[tilespmem:s18+$0x421 ss:$0x21] =	vst.msk $0xffff, v3;
	s21 =	sshll.u32 s29, $0x12;
	s17 =	ssub.s32 s19, s17;
	s19 =	sand.u32 $0x7, s28  }
0x62: {  	[tilespmem:s18+$0x0 ss:$0x21] =	vst.msk $0xffff, v62;
	s20 =	sshrl.u32 s20, $0x1;
	s17 =	sshll.u32 s17, $0x3;
	s19 =	sadd.s32 s5, s19  }
0x63: {  	[tilespmem:s18+$0x1 ss:$0x21] =	vst.msk $0xffff, v63;
	s31 =	sor.u32 $0x20, s21;
	s30 =	sand.u32 $0x3FFFFFFF, s20;
	s17 =	sadd.s32 s17, s19  }
0x64: {  	[hbm4b:s17+s31] =	stream.strided.scatter [tilespmem:s16], [sflag:$0x2], s30, s8, s31, $0x10;
	[tilespmem:$0x2080] =	vst v63  }
.LBB1_6:
0x65: {  	_ =	sfence.sel $0x180000  }
0x66: {  	s2 =	simm.s32 $0x1;
	[bflag:$0x0] =	sbarrier.arrive $0xFFFF  }
0x67: {  	s31 =	simm.s32 $0x2;
	[sflag:s2] =	ssyncpa.u1 $0x1  }
0x68: {  	[sflag:s31] =	ssyncpa.u1 $0x1  }
0x69: {  	p0 =	sne.s32 s1, $0x0;
	_ =	strace $0x9000004A  }
0x6a: {  	s0 =	sadd.s32 @!p0 $0x100000, s0;
	[bflag:$0x2] =	sbarrier.arrive $0xFFFF  }
0x6b: {  	[sflag:s0] =	ssyncadd.tile.s32 @!p0 $0x1;
	_ =	shalt  }
.Lfunc_end1:
_tile_overlayer_lowered:
.L_overlay_start_2:
0x6c: {  	(tag) =	ssettag $0x2  }
0x6d: {  	s0 =	rddreg [dreg:$0x0];
	s2 =	stileid.u32  }
0x6e: {  	s1 =	rddreg [dreg:$0x1];
	p0 =	sne.s32 s2, $0x0  }
0x6f: {  	s3 =	rddreg [dreg:$0x2];
	[bflag:$0x3] =	sbarrier.arrive $0xFFFF;
	s2 =	simm.s32 @!p0 $0x1C01  }
0x70: {  	[timem:s3], [sflag:s2] =	dma.local @!p0 [hbm:s0], s1  }
0x71: {  	s0 =	simm.s32 @!p0 $0x1  }
0x72: {  	_ =	swait.ge @!p0 [sflag:s0], s1  }
0x73: {  	s1 =	ssub.s32 @!p0 $0x0, s1;
	[sflag:s0] =	ssyncset.done @!p0 $0x0  }
0x74: {  	[sflag:s0] =	ssyncadd.s32 @!p0 s1  }
0x75: {  	[bflag:$0x3] =	sbarrier.arrive $0xFFFF  }
0x76: {  	_ =	shalt  }

// kernel: sparse-core-data-format-call.2.cloned.1.call-start
scs
called_computation.2_lowered:
.L_overlay_start_0:
0x0: {  	s2 =	sld [smem:$0x3FD9]  }
0x1: {  	s3 =	sld [smem:$0x3FFE];
	_ =	sdelay $0x1  }
0x2: {  	s1 =	srdreg.scid  }
0x3: {  	s0 =	sand.u32 $0x1, s1  }
0x4: {  	s18 =	sshll.u32 s0, $0xA;
	s2 =	sadd.s32 s3, s2  }
0x5: {  	s2 =	sadd.s32 s2, s18  }
0x6: {  	[smem:$0x3FBC] =	sst s2  }
0x7: {  	_ = 	snop  }
0x8: {  	(tm) =	ssettm $0x1  }
0x9: {  	s19 =	sld [smem:$0x3FFB];
	_ =	sdelay $0x3  }
0xa: {  	_ =	strace s19  }
0xb: {  	s2 =	sld [smem:$0x3FFC];
	_ =	sdelay $0x3  }
0xc: {  	_ =	strace s2  }
0xd: {  	s2 =	sld [smem:$0x3FFD];
	_ =	sdelay $0x3  }
0xe: {  	_ =	strace s2  }
0xf: {  	_ =	strace $0x8FFFFFFF  }
0x10: {  	s20 =	sld [smem:$0x3FDB];
	_ =	sdelay $0x1  }
0x11: {  	s21 =	simm.s32 $_scs_section_size  }
0x12: {  	s4 =	simm.s32 $_size__tile_overlayer_lowered;
	s5 =	simm.s32 $_tile_overlayer_lowered  }
0x13: {  	s6 =	simm.s32 $0x1BFF;
	s22 =	sshll.u32 s5, $0x1;
	s3 =	sadd.s32 s21, s20  }
0x14: {  	s23 =	simm.s32 $0x0;
	s4 =	sshll.u32 s4, $0x1;
	s5 =	sadd.s32 s22, s3  }
0x15: {  	[timem:s23], [sflag:s6] =	dma.local [hbm:s5], s4  }
0x16: {  	_ =	swait.ge [sflag:s6], s4  }
0x17: {  	s4 =	ssub.s32 $0x0, s4;
	[sflag:s6] =	ssyncset.done $0x0  }
0x18: {  	[sflag:s6] =	ssyncadd.s32 s4;
	_ =	sdelay $0x1  }
0x19: {  	s24 =	simm.s32 $0x1B8B  }
0x1a: {  	_ =	swait.ge [sflag:s24], $0x1  }
0x1b: {  	[sflag:s24] =	ssyncset.done $0x0  }
0x1c: {  	[sflag:s24] =	ssyncadd.s32 $0xFFFFFFFF  }
0x1d: {  	s4 =	sld [smem:$0x0]  }
0x1e: {  	s5 =	sand.u32 $0xFFFFFFFE, s1  }
0x1f: {  	p0 =	sne.s32 s1, s5  }
0x20: {  	s5 =	sshll.u32 @p0 s5, $0xE  }
0x21: {  	s5 =	sadd.s32 @p0 $0x11B8D, s5;
	s6 =	sshll.u32 @p0 s4, $0x11  }
0x22: {  	s5 =	sor.u32 @p0 s6, s5  }
0x23: {  	[sflag:s5] =	ssyncadd.remote.s32 @p0 $0x1;
	_ =	sdelay $0x1  }
0x24: {  	s5 =	simm.s32 @p0 $0x1B8D  }
0x25: {  	_ =	swait.eq @p0 [sflag:s5], $0x1  }
0x26: {  	[sflag:s5] =	ssyncadd.s32 @p0 $0xFFFFFFFF  }
0x27: {  	s6 =	sshll.u32 @!p0 s1, $0xE  }
0x28: {  	s6 =	sor.u32 @!p0 $0x4000, s6;
	s5 =	simm.s32 @!p0 $0x1B8D  }
0x29: {  	s4 =	sshll.u32 @!p0 s4, $0x11;
	s6 =	sadd.s32 @!p0 $0x11B8D, s6;
	_ =	swait.eq @!p0 [sflag:s5], $0x1  }
0x2a: {  	s4 =	sor.u32 @!p0 s4, s6;
	[sflag:s5] =	ssyncadd.s32 @!p0 $0xFFFFFFFF  }
0x2b: {  	s26 =	simm.s32 $0x1B8E;
	s25 =	sld [smem:$0x3FFE];
	[sflag:s4] =	ssyncadd.remote.s32 @!p0 $0x1  }
0x2c: {  	s27 =	simm.s32 $execute0_lowered;
	[smem:$0x3FD2] =	sst s26  }
0x2d: {  	s5 =	sshll.u32 s27, $0x1;
	_ =	strace $0x8000004C;
	[dreg:$0x1] =	wrdreg $0xFFFFFFFF  }
0x2e: {  	s28 =	simm.s32 $_size_execute0_lowered;
	s3 =	sadd.s32 s3, s5;
	[dreg:$0x0] =	wrdreg $0x0  }
0x2f: {  	s5 =	sshll.u32 s28, $0x1;
	[dreg:$0x2] =	wrdreg s3  }
0x30: {  	[dreg:$0x3] =	wrdreg s5  }
0x31: {  	[dreg:$0x4] =	wrdreg $0xC0  }
0x32: {  	_ =	task [dreg:s23], $0x5FFFF  }
0x33: {  	[dreg:$0x1] =	wrdreg $0xFFFFFFFF  }
0x34: {  	[dreg:$0x0] =	wrdreg $0x60  }
0x35: {  	[dreg:$0x2] =	wrdreg s25  }
0x36: {  	[dreg:$0x3] =	wrdreg $0xA  }
0x37: {  	_ =	task.clear_ibuf [dreg:s23], $0x4FFFF;
	_ =	strace $0x9000004C  }
0x38: {  	s29 =	simm.s32 $0xA;
	_ =	strace $0x8000004E  }
0x39: {  	_ =	swait.ge [sflag:s29], $0x1  }
0x3a: {  	[sflag:s29] =	ssyncadd.s32 $0xFFFFFFFF  }
0x3b: {  	_ =	strace $0x9000004E  }
0x3c: {  	_ =	sfence  }
0x3d: {  	s30 =	sld [smem:$0x0];
	_ =	sdelay $0x2  }
0x3e: {  	s31 =	sshll.u32 s1, $0xD;
	s1 =	sshrl.u32 s1, $0x2  }
0x3f: {  	s4 =	sand.u32 $0x4000, s31;
	s1 =	sadd.s32 s1, s30  }
0x40: {  	s0 =	sor.u32 s4, s0;
	s1 =	sshll.u32 s1, $0x11  }
0x41: {  	s0 =	sor.u32 s1, s0  }
0x42: {  	s0 =	sadd.s32 $0x8F2B, s0  }
0x43: {  	[sflag:s0] =	ssyncadd.remote.s32 $0x1  }
0x44: {  	_ =	sfence.sel $0xFFFF  }
0x45: {  	[dreg:$0x0] =	wrdreg $0xFFFFFFFF;
	(pc) =	sbr.abs _section_cstart, $3  }
0x46: {  	[dreg:$0x1] =	wrdreg $0xFFFFFFFF  }
0x47: {  	_ =	task.clear_ibuf [dreg:s23], $0x2FFFF;
	_ =	strace $0x9FFFFFFF  }
0x48: {  	(tm) =	ssettm $0x7FFFFFFF  }
0x49: {  	_ =	shalt  }
tec
execute0_lowered:
.L_overlay_start_1:
0x0: {  	(tag) =	ssettag $0x1  }
0x1: {  	s0 =	srdreg.scid  }
0x2: {  	s5 =	rddreg [dreg:$0x0];
	s1 =	stileid.u32;
	s4 =	simm.s32 $0x1  }
0x3: {  	s6 =	simm.s32 $0x2;
	s8 =	simm.s32 $0x0;
	s2 =	sshll.u32 s0, $0x4  }
0x4: {  	s9 =	simm.s32 $0x0;
	s13 =	simm.s32 $0x0;
	s2 =	sand.u32 $0x10, s2  }
.Ltmp0:
0x5: {  	s10 =	simm.s32 $0x0;
	s3 =	sor.u32 s1, s2;
	(pc) =	sbr.rel .LBB1_1-.Ltmp0, $4  }
0x6: {  	s0 =	rddreg [dreg:$0x1];
	_ =	strace $0x8000004D;
	s3 =	sshll.u32 s3, $0x4  }
0x7: {  	s12 =	simm.s32 $0x0;
	[sflag:s4] =	ssyncpa.u1 $0x0;
	s7 =	ssub.s32 $0x3D00, s3  }
0x8: {  	s2 =	sadd.s32 $0x1EA400, s5;
	[sflag:s6] =	ssyncpa.u1 $0x0;
	s6 =	sshrl.u32 s7, $0x9  }
0x9: {  	s5 =	sadd.s32 $0x1E00, s5;
	s11 =	smov.u32 s3;
	s7 =	sadd.s32 $0x2, s6  }
.LBB1_7:
0xa: {  	s15 =	sshll.u32 s12, $0xF  }
0xb: {  	s15 =	sand.u32 $0x8000, s15  }
0xc: {  	s16 =	sshll.u32 s10, $0x7;
	s15 =	sshrl.u32 s15, $0x1  }
0xd: {  	s16 =	sadd.s32 s5, s16;
	s15 =	sor.u32 $0x8000, s15  }
0xe: {  	[hbm4b:s16+s8] =	stream.linear.scatter [tilespmem:s15], [sflag:$0x2], s14, $0x38;
	[tilespmem:$0x10000] =	vst v63  }
.LBB1_8:
0xf: {  	p0 =	slt.u32 s12, $0x2  }
0x10: {  	p1 =	sgt.s32 @!p0 s13, $0x3CF9  }
0x11: {  	s14 =	smov.u32 s13;
	s15 =	sshra.s32 @!p0 s13, $0x1F;
	p1 =	por !p1, p0  }
0x12: {  	s13 =	sand.u32 @!p0 s15, s13;
	s14 =	simm.s32 @p1 $0x3CF9  }
0x13: {  	s13 =	ssub.s32 @!p0 s14, s13  }
0x14: {  	s13 =	sadd.s32 @!p0 $0xFFFFC307, s13  }
0x15: {  	s14 =	sshll.u32 @!p0 s13, $0xC  }
0x16: {  	p1 =	sgt.s32 @!p0 s13, $0xF;
	s13 =	ssub.s32 @!p0 $0x10000, s14  }
0x17: {  	s15 =	sadd.s32 $0x200, s11;
	p1 =	por !p1, p0;
	s13 =	sshrl.u32 @!p0 s13, $0x2  }
0x18: {  	s13 =	simm.s32 @!p1 $0x0;
	p1 =	sgt.s32 s15, $0x3D08  }
0x19: {  	s15 =	smov.u32 @p1 s3;
	p1 =	sne.s32 s12, s7  }
.Ltmp1:
0x1a: {  	_ = 	snop;
	(pc) =	sbr.rel @!p1 .LBB1_9-.Ltmp1, $4  }
0x1b: {  	s14 =	simm.s32 @!p0 $0x2  }
0x1c: {  	s9 =	sadd.s32 $0x8000, s9;
	_ =	swait.ge @!p0 [sflag:s14], s13;
	s16 =	ssub.s32 @!p0 $0x0, s13  }
0x1d: {  	s13 =	smov.u32 s10;
	s12 =	sadd.s32 $0x1, s12;
	[sflag:s14] =	ssyncset.done @!p0 $0x0  }
0x1e: {  	s10 =	smov.u32 s11;
	s11 =	smov.u32 s15;
	[sflag:s14] =	ssyncadd.s32 @!p0 s16  }
.LBB1_1:
0x1f: {  	p0 =	sgt.u32 s12, s6  }
0x20: {  	p1 =	sgt.s32 @!p0 s11, $0x3CF9  }
0x21: {  	s14 =	smov.u32 s11;
	s15 =	sshra.s32 @!p0 s11, $0x1F;
	p1 =	por !p1, p0  }
0x22: {  	s15 =	sand.u32 @!p0 s15, s11;
	s14 =	simm.s32 @p1 $0x3CF9  }
0x23: {  	s14 =	ssub.s32 @!p0 s14, s15  }
0x24: {  	s14 =	sadd.s32 @!p0 $0xFFFFC307, s14  }
0x25: {  	s16 =	sshll.u32 @!p0 s11, $0x7;
	s17 =	simm.s32 @!p0 $0x0;
	s15 =	sshll.u32 @!p0 s14, $0xC  }
0x26: {  	p1 =	sgt.s32 @!p0 s14, $0xF;
	s14 =	ssub.s32 @!p0 $0x10000, s15;
	s15 =	sxor.u32 @!p0 $0xFFFFFFFF, s12  }
0x27: {  	p1 =	por !p1, p0;
	s14 =	sshrl.u32 @!p0 s14, $0x2;
	s15 =	sshll.u32 @!p0 s15, $0xE  }
0x28: {  	s16 =	sadd.s32 @!p0 s2, s16;
	s14 =	simm.s32 @!p1 $0x0;
	s15 =	sand.u32 @!p0 $0x4000, s15  }
0x29: {  	[tilespmem:s15], [sflag:$0x1] =	stream.linear.gather @!p0 [hbm4b:s16+s17], s14, $0x38;
	[tilespmem:$0x10000] =	vst v63  }
0x2a: {  	p0 =	seq.s32 s12, $0x0  }
0x2b: {  	p1 =	sge.u32 @!p0 s12, s7  }
0x2c: {  	p0 =	por p0, p1  }
.Ltmp2:
0x2d: {  	_ = 	snop;
	(pc) =	sbr.rel @p0 .LBB1_8-.Ltmp2, $1  }
0x2e: {  	_ =	sdelay $0x3  }
0x2f: {  	p0 =	sgt.s32 s10, $0x3CF9;
	s14 =	smov.u32 s10;
	s15 =	sshra.s32 s10, $0x1F  }
0x30: {  	s14 =	simm.s32 @!p0 $0x3CF9;
	s15 =	sand.u32 s15, s10  }
0x31: {  	s14 =	ssub.s32 s14, s15  }
0x32: {  	s16 =	sadd.s32 $0x10, s10;
	s14 =	sadd.s32 $0xFFFFC307, s14  }
0x33: {  	p1 =	slt.s32 s16, $0x3D09;
	s30 =	sshll.u32 s14, $0xC  }
0x34: {  	s16 =	simm.s32 @!p1 $0x3D09;
	s15 =	ssub.s32 $0x10000, s30  }
0x35: {  	p0 =	sgt.s32 s14, $0xF;
	s14 =	sshrl.u32 s15, $0x2;
	s15 =	ssub.s32 s16, s10  }
0x36: {  	s14 =	simm.s32 @p0 $0x0;
	p0 =	slt.s32 s15, $0x1  }
.Ltmp3:
0x37: {  	_ = 	snop;
	(pc) =	sbr.rel @p0 .LBB1_7-.Ltmp3, $4  }
0x38: {  	_ = 	snop  }
0x39: {  	_ =	swait.ge [sflag:s4], s14  }
0x3a: {  	s31 =	ssub.s32 $0x0, s14;
	[sflag:s4] =	ssyncset.done $0x0  }
0x3b: {  	[sflag:s4] =	ssyncadd.s32 s31  }
0x3c: {  	s16 =	sshrl.u32 s9, $0x1  }
0x3d: {  	s17 =	sand.u32 $0x4000, s16  }
0x3e: {  	s18 =	simm.s32 $0x0;
	s16 =	sor.u32 $0x200, s17;
	s17 =	sor.u32 $0x8080, s17  }
.LBB1_4:
0x3f: {  	v0 =	vld [tilespmem:s16+$0xFFFFFE70]  }
0x40: {  	v1 =	vld [tilespmem:s16+$0x70]  }
0x41: {  	v2 =	vld [tilespmem:s16+$0x0]  }
0x42: {  	v3 =	vld [tilespmem:s16+$0xFFFFFE10]  }
0x43: {  	v4 =	vld [tilespmem:s16+$0x10]  }
0x44: {  	v5 =	vld [tilespmem:s16+$0xFFFFFE20]  }
0x45: {  	v7 =	vld [tilespmem:s16+$0x20]  }
0x46: {  	v11 =	vld [tilespmem:s16+$0x30];
	v6 =	vunpack.i.l.s16.s32 v0;
	v8 =	vunpack.i.u.s16.s32 v0;
	v9 =	vunpack.i.u.s16.s32 v1  }
0x47: {  	v10 =	vunpack.i.l.s16.s32 v1;
	v0 =	vunpack.i.u.s16.s32 v2;
	v1 =	vunpack.i.l.s16.s32 v2;
	v2 =	vld [tilespmem:s16+$0xFFFFFE30]  }
0x48: {  	v8 =	vpack.i.b32.b16 v9, v8;
	v9 =	vunpack.i.u.s16.s32 v3;
	v3 =	vunpack.i.l.s16.s32 v3  }
0x49: {  	v12 =	vld [tilespmem:s16+$0xFFFFFE40];
	v6 =	vpack.i.b32.b16 v10, v6;
	[tilespmem:s17+$0x70] =	vst v8;
	v8 =	vunpack.i.u.s16.s32 v4;
	v4 =	vunpack.i.l.s16.s32 v4  }
0x4a: {  	v13 =	vld [tilespmem:s16+$0x40];
	v10 =	vunpack.i.u.s16.s32 v5;
	v5 =	vunpack.i.l.s16.s32 v5;
	[tilespmem:s17+$0xFFFFFFF0] =	vst v6;
	v3 =	vpack.i.b32.b16 v4, v3  }
0x4b: {  	v6 =	vunpack.i.l.s16.s32 v7;
	v4 =	vld [tilespmem:s16+$0xFFFFFE50];
	[tilespmem:s17+$0xFFFFFF90] =	vst v3;
	v3 =	vpack.i.b32.b16 v8, v9;
	v8 =	vunpack.i.u.s16.s32 v7  }
0x4c: {  	v7 =	vunpack.i.l.s16.s32 v11;
	[tilespmem:s17+$0x10] =	vst v3;
	v3 =	vpack.i.b32.b16 v6, v5;
	v9 =	vunpack.i.u.s16.s32 v2;
	v6 =	vld [tilespmem:s16+$0x50]  }
0x4d: {  	v5 =	vunpack.i.l.s16.s32 v2;
	v2 =	vld [tilespmem:s16+$0xFFFFFE60];
	[tilespmem:s17+$0xFFFFFFA0] =	vst v3;
	v3 =	vpack.i.b32.b16 v8, v10;
	v10 =	vunpack.i.u.s16.s32 v11  }
0x4e: {  	s21 =	simm.s32 $0x0;
	v11 =	vpack.i.b32.b16 v7, v5;
	v7 =	vunpack.i.u.s16.s32 v12;
	v8 =	vunpack.i.l.s16.s32 v12;
	[tilespmem:s17+$0x20] =	vst v3;
	v3 =	vld [tilespmem:s16+$0x60]  }
0x4f: {  	s22 =	sadd.s32 $0x80, s16;
	s20 =	smov.u32 s17;
	s19 =	smov.u32 s17;
	v5 =	vld [tilespmem:s16+$0xFFFFFE00];
	[tilespmem:s17+$0xFFFFFFB0] =	vst v11;
	v10 =	vpack.i.b32.b16 v10, v9;
	v9 =	vunpack.i.u.s16.s32 v13;
	v11 =	vunpack.i.l.s16.s32 v13  }
.LBB1_5:
0x50: {  	v12 =	vld [tilespmem:s22+$0xFFFFFE70];
	[tilespmem:s20+$0x30] =	vst v10;
	v8 =	vpack.i.b32.b16 v11, v8;
	v10 =	vunpack.i.u.s16.s32 v4;
	v4 =	vunpack.i.l.s16.s32 v4  }
0x51: {  	s21 =	sadd.s32 $0x2, s21;
	v7 =	vpack.i.b32.b16 v9, v7;
	v11 =	vld [tilespmem:s22+$0x70];
	[tilespmem:s20+$0xFFFFFFC0] =	vst v8;
	v8 =	vunpack.i.u.s16.s32 v6;
	v6 =	vunpack.i.l.s16.s32 v6  }
0x52: {  	p0 =	slt.u32 s21, $0x6;
	v9 =	vld [tilespmem:s22+$0x0];
	[tilespmem:s20+$0x40] =	vst v7;
	v4 =	vpack.i.b32.b16 v6, v4;
	v6 =	vunpack.i.u.s16.s32 v2;
	v2 =	vunpack.i.l.s16.s32 v2  }
0x53: {  	v7 =	vld [tilespmem:s22+$0xFFFFFE10];
	[tilespmem:s20+$0xFFFFFFD0] =	vst v4;
	v4 =	vpack.i.b32.b16 v8, v10;
	v8 =	vunpack.i.u.s16.s32 v3;
	v3 =	vunpack.i.l.s16.s32 v3  }
0x54: {  	v10 =	vld [tilespmem:s22+$0x10];
	v13 =	vunpack.i.u.s16.s32 v5;
	v5 =	vunpack.i.l.s16.s32 v5;
	[tilespmem:s20+$0x50] =	vst v4;
	v2 =	vpack.i.b32.b16 v3, v2  }
0x55: {  	v3 =	vld [tilespmem:s22+$0xFFFFFE20];
	v4 =	vunpack.i.l.s16.s32 v12;
	v1 =	vpack.i.b32.b16 v1, v5;
	v5 =	vpack.i.b32.b16 v0, v13;
	[tilespmem:s20+$0xFFFFFFE0] =	vst v2  }
0x56: {  	v12 =	vunpack.i.u.s16.s32 v12;
	v2 =	vld [tilespmem:s22+$0x20];
	v13 =	vunpack.i.u.s16.s32 v11;
	v11 =	vunpack.i.l.s16.s32 v11;
	[tilespmem:s20+$0xFFFFFF80] =	vst v1  }
0x57: {  	s20 =	sadd.s32 $0x100, s20;
	v0 =	vunpack.i.u.s16.s32 v9;
	v1 =	vunpack.i.l.s16.s32 v9;
	v9 =	vld [tilespmem:s22+$0xFFFFFE30];
	v12 =	vpack.i.b32.b16 v13, v12;
	[tilespmem:s19+$0x0] =	vst v5  }
0x58: {  	v6 =	vpack.i.b32.b16 v8, v6;
	v5 =	vunpack.i.u.s16.s32 v7;
	v7 =	vunpack.i.l.s16.s32 v7;
	v13 =	vld [tilespmem:s22+$0x30];
	[tilespmem:s20+$0x70] =	vst v12  }
0x59: {  	v4 =	vpack.i.b32.b16 v11, v4;
	v8 =	vunpack.i.u.s16.s32 v10;
	v10 =	vunpack.i.l.s16.s32 v10;
	v12 =	vld [tilespmem:s22+$0xFFFFFE40];
	[tilespmem:s19+$0x60] =	vst v6;
	s19 =	smov.u32 s20  }
0x5a: {  	v6 =	vpack.i.b32.b16 v10, v7;
	v7 =	vunpack.i.u.s16.s32 v3;
	v3 =	vunpack.i.l.s16.s32 v3;
	v11 =	vld [tilespmem:s22+$0x40];
	[tilespmem:s20+$0xFFFFFFF0] =	vst v4  }
.Ltmp4:
0x5b: {  	v5 =	vpack.i.b32.b16 v8, v5;
	[tilespmem:s20+$0xFFFFFF90] =	vst v6;
	v8 =	vunpack.i.u.s16.s32 v2;
	v2 =	vunpack.i.l.s16.s32 v2;
	v4 =	vld [tilespmem:s22+$0xFFFFFE50];
	(pc) =	sbr.rel @p0 .LBB1_5-.Ltmp4, $4  }
0x5c: {  	[tilespmem:s20+$0x10] =	vst v5;
	v2 =	vpack.i.b32.b16 v2, v3;
	v10 =	vunpack.i.u.s16.s32 v9;
	v3 =	vunpack.i.l.s16.s32 v9;
	v6 =	vld [tilespmem:s22+$0x50]  }
0x5d: {  	v5 =	vpack.i.b32.b16 v8, v7;
	[tilespmem:s20+$0xFFFFFFA0] =	vst v2;
	v9 =	vunpack.i.u.s16.s32 v13;
	v7 =	vunpack.i.l.s16.s32 v13;
	v2 =	vld [tilespmem:s22+$0xFFFFFE60]  }
0x5e: {  	[tilespmem:s20+$0x20] =	vst v5;
	v13 =	vpack.i.b32.b16 v7, v3;
	v7 =	vunpack.i.u.s16.s32 v12;
	v8 =	vunpack.i.l.s16.s32 v12;
	v3 =	vld [tilespmem:s22+$0x60]  }
0x5f: {  	v10 =	vpack.i.b32.b16 v9, v10;
	v5 =	vld [tilespmem:s22+$0xFFFFFE00];
	[tilespmem:s20+$0xFFFFFFB0] =	vst v13;
	v9 =	vunpack.i.u.s16.s32 v11;
	v11 =	vunpack.i.l.s16.s32 v11;
	s22 =	sadd.s32 $0x80, s22  }
0x60: {  	[tilespmem:s20+$0x30] =	vst v10;
	v8 =	vpack.i.b32.b16 v11, v8  }
0x61: {  	v51 =	vunpack.i.l.s16.s32 v4;
	v7 =	vpack.i.b32.b16 v9, v7;
	[tilespmem:s20+$0xFFFFFFC0] =	vst v8;
	v52 =	vunpack.i.l.s16.s32 v6  }
0x62: {  	v53 =	vunpack.i.u.s16.s32 v4;
	s18 =	sadd.s32 $0x1, s18;
	v54 =	vunpack.i.u.s16.s32 v6;
	[tilespmem:s20+$0x40] =	vst v7;
	v55 =	vpack.i.b32.b16 v52, v51  }
0x63: {  	p0 =	sne.s32 s18, s15;
	v56 =	vunpack.i.l.s16.s32 v2;
	v4 =	vpack.i.b32.b16 v54, v53;
	[tilespmem:s20+$0xFFFFFFD0] =	vst v55;
	v57 =	vunpack.i.l.s16.s32 v3  }
.Ltmp5:
0x64: {  	[tilespmem:s20+$0x50] =	vst v4;
	v58 =	vunpack.i.l.s16.s32 v5;
	v59 =	vpack.i.b32.b16 v57, v56;
	(pc) =	sbr.rel @p0 .LBB1_4-.Ltmp5, $4  }
.Ltmp6:
0x65: {  	v61 =	vunpack.i.u.s16.s32 v2;
	v62 =	vunpack.i.u.s16.s32 v3;
	v1 =	vpack.i.b32.b16 v1, v58;
	[tilespmem:s20+$0xFFFFFFE0] =	vst v59;
	(pc) =	sbr.rel @!p0 .LBB1_7-.Ltmp6, $4  }
0x66: {  	v60 =	vunpack.i.u.s16.s32 v5;
	v63 =	vpack.i.b32.b16 v62, v61;
	[tilespmem:s20+$0xFFFFFF80] =	vst v1  }
0x67: {  	v0 =	vpack.i.b32.b16 v0, v60;
	[tilespmem:s19+$0x60] =	vst v63  }
0x68: {  	s16 =	sadd.s32 $0x400, s16;
	s17 =	sadd.s32 $0x400, s17;
	[tilespmem:s19+$0x0] =	vst v0  }
0x69: {  	_ = 	snop  }
.LBB1_9:
0x6a: {  	_ =	sfence.sel $0x180000  }
0x6b: {  	s2 =	simm.s32 $0x1;
	[bflag:$0x0] =	sbarrier.arrive $0xFFFF  }
0x6c: {  	s31 =	simm.s32 $0x2;
	[sflag:s2] =	ssyncpa.u1 $0x1  }
0x6d: {  	[sflag:s31] =	ssyncpa.u1 $0x1  }
0x6e: {  	p0 =	sne.s32 s1, $0x0;
	_ =	strace $0x9000004D  }
0x6f: {  	s0 =	sadd.s32 @!p0 $0x100000, s0;
	[bflag:$0x2] =	sbarrier.arrive $0xFFFF  }
0x70: {  	[sflag:s0] =	ssyncadd.tile.s32 @!p0 $0x1;
	_ =	shalt  }
.Lfunc_end1:
_tile_overlayer_lowered:
.L_overlay_start_2:
0x71: {  	(tag) =	ssettag $0x2  }
0x72: {  	s0 =	rddreg [dreg:$0x0];
	s2 =	stileid.u32  }
0x73: {  	s1 =	rddreg [dreg:$0x1];
	p0 =	sne.s32 s2, $0x0  }
0x74: {  	s3 =	rddreg [dreg:$0x2];
	[bflag:$0x3] =	sbarrier.arrive $0xFFFF;
	s2 =	simm.s32 @!p0 $0x1C01  }
0x75: {  	[timem:s3], [sflag:s2] =	dma.local @!p0 [hbm:s0], s1  }
0x76: {  	s0 =	simm.s32 @!p0 $0x1  }
0x77: {  	_ =	swait.ge @!p0 [sflag:s0], s1  }
0x78: {  	s1 =	ssub.s32 @!p0 $0x0, s1;
	[sflag:s0] =	ssyncset.done @!p0 $0x0  }
0x79: {  	[sflag:s0] =	ssyncadd.s32 @!p0 s1  }
0x7a: {  	[bflag:$0x3] =	sbarrier.arrive $0xFFFF  }
0x7b: {  	_ =	shalt  }

// kernel: sparse-core-data-format-call.3.cloned.1.call-start
scs
called_computation.3_lowered:
.L_overlay_start_0:
0x0: {  	s1 =	sld [smem:$0x3FD9]  }
0x1: {  	s2 =	sld [smem:$0x3FFE];
	_ =	sdelay $0x1  }
0x2: {  	s3 =	srdreg.scid  }
0x3: {  	s0 =	sand.u32 $0x1, s3  }
0x4: {  	s17 =	sshll.u32 s0, $0xA;
	s1 =	sadd.s32 s2, s1  }
0x5: {  	s1 =	sadd.s32 s1, s17  }
0x6: {  	[smem:$0x3FBC] =	sst s1  }
0x7: {  	_ = 	snop  }
0x8: {  	(tm) =	ssettm $0x1  }
0x9: {  	s18 =	sld [smem:$0x3FFB];
	_ =	sdelay $0x3  }
0xa: {  	_ =	strace s18  }
0xb: {  	s1 =	sld [smem:$0x3FFC];
	_ =	sdelay $0x3  }
0xc: {  	_ =	strace s1  }
0xd: {  	s1 =	sld [smem:$0x3FFD];
	_ =	sdelay $0x3  }
0xe: {  	_ =	strace s1  }
0xf: {  	_ =	strace $0x8FFFFFFF  }
0x10: {  	s19 =	sld [smem:$0x3FDB];
	_ =	sdelay $0x1  }
0x11: {  	s20 =	simm.s32 $_scs_section_size  }
0x12: {  	s4 =	simm.s32 $_size__tile_overlayer_lowered;
	s5 =	simm.s32 $_tile_overlayer_lowered  }
0x13: {  	s23 =	simm.s32 $0x1BFF;
	s22 =	sshll.u32 s5, $0x1;
	s1 =	sadd.s32 s20, s19  }
0x14: {  	s6 =	simm.s32 $0x0;
	s21 =	sshll.u32 s4, $0x1;
	s4 =	sadd.s32 s22, s1  }
0x15: {  	[timem:s6], [sflag:s23] =	dma.local [hbm:s4], s21  }
0x16: {  	_ =	swait.ge [sflag:s23], s21  }
0x17: {  	s2 =	ssub.s32 $0x0, s21;
	[sflag:s23] =	ssyncset.done $0x0  }
0x18: {  	[sflag:s23] =	ssyncadd.s32 s2;
	_ =	sdelay $0x1  }
0x19: {  	s24 =	simm.s32 $0x1B8B  }
0x1a: {  	_ =	swait.ge [sflag:s24], $0x1  }
0x1b: {  	[sflag:s24] =	ssyncset.done $0x0  }
0x1c: {  	s26 =	simm.s32 $0x1B8E;
	s25 =	sld [smem:$0x3FFE];
	[sflag:s24] =	ssyncadd.s32 $0xFFFFFFFF  }
0x1d: {  	s27 =	simm.s32 $execute0_lowered;
	[smem:$0x3FD2] =	sst s26  }
0x1e: {  	s4 =	sshll.u32 s27, $0x1;
	_ =	strace $0x80000046;
	[dreg:$0x1] =	wrdreg $0xFFFFFFFF  }
0x1f: {  	s28 =	simm.s32 $_size_execute0_lowered;
	s1 =	sadd.s32 s1, s4;
	[dreg:$0x0] =	wrdreg $0x0  }
0x20: {  	s4 =	sshll.u32 s28, $0x1;
	[dreg:$0x2] =	wrdreg s1  }
0x21: {  	[dreg:$0x3] =	wrdreg s4  }
0x22: {  	[dreg:$0x4] =	wrdreg $0xC0  }
0x23: {  	_ =	task [dreg:s6], $0x5FFFF  }
0x24: {  	[dreg:$0x1] =	wrdreg $0xFFFFFFFF  }
0x25: {  	[dreg:$0x0] =	wrdreg $0x60  }
0x26: {  	[dreg:$0x2] =	wrdreg s25  }
0x27: {  	[dreg:$0x3] =	wrdreg $0xA  }
0x28: {  	_ =	task.clear_ibuf [dreg:s6], $0x4FFFF;
	_ =	strace $0x90000046  }
0x29: {  	s29 =	simm.s32 $0xA;
	_ =	strace $0x80000048  }
0x2a: {  	_ =	swait.ge [sflag:s29], $0x1  }
0x2b: {  	[sflag:s29] =	ssyncadd.s32 $0xFFFFFFFF  }
0x2c: {  	_ =	strace $0x90000048  }
0x2d: {  	_ =	sfence  }
0x2e: {  	s30 =	sld [smem:$0x0];
	_ =	sdelay $0x2  }
0x2f: {  	s31 =	sshll.u32 s3, $0xD;
	s3 =	sshrl.u32 s3, $0x2  }
0x30: {  	s2 =	sand.u32 $0x4000, s31;
	s1 =	sadd.s32 s3, s30  }
0x31: {  	s0 =	sor.u32 s2, s0;
	s1 =	sshll.u32 s1, $0x11  }
0x32: {  	s0 =	sor.u32 s1, s0  }
0x33: {  	s0 =	sadd.s32 $0x8F2B, s0  }
0x34: {  	[sflag:s0] =	ssyncadd.remote.s32 $0x1  }
0x35: {  	_ =	sfence.sel $0xFFFF  }
0x36: {  	[dreg:$0x0] =	wrdreg $0xFFFFFFFF;
	(pc) =	sbr.abs _section_cstart, $3  }
0x37: {  	[dreg:$0x1] =	wrdreg $0xFFFFFFFF  }
0x38: {  	_ =	task.clear_ibuf [dreg:s6], $0x2FFFF;
	_ =	strace $0x9FFFFFFF  }
0x39: {  	(tm) =	ssettm $0x7FFFFFFF  }
tec
execute0_lowered:
.L_overlay_start_1:
0x0: {  	(tag) =	ssettag $0x1  }
0x1: {  	s0 =	srdreg.scid  }
0x2: {  	s5 =	rddreg [dreg:$0x0];
	s1 =	stileid.u32;
	s4 =	simm.s32 $0x1  }
0x3: {  	s6 =	simm.s32 $0x2;
	s15 =	simm.s32 $0x0;
	p0 =	por $0x0, $0x0  }
0x4: {  	s8 =	simm.s32 $0x80;
	s14 =	simm.s32 $0x0;
	s2 =	sshll.u32 s0, $0x4  }
0x5: {  	s9 =	simm.s32 $0x0;
	s10 =	simm.s32 $0x0;
	s2 =	sand.u32 $0x10, s2  }
.Ltmp0:
0x6: {  	s12 =	simm.s32 $0x0;
	s3 =	sor.u32 s1, s2;
	(pc) =	sbr.rel .LBB1_1-.Ltmp0, $4  }
0x7: {  	s0 =	rddreg [dreg:$0x1];
	_ =	strace $0x80000047;
	s3 =	sshll.u32 s3, $0x7  }
0x8: {  	s13 =	simm.s32 $0x0;
	[sflag:s4] =	ssyncpa.u1 $0x0;
	s7 =	ssub.s32 $0xF4200, s3  }
0x9: {  	s2 =	sadd.s32 $0x1E00, s5;
	[sflag:s6] =	ssyncpa.u1 $0x0;
	s6 =	sshrl.u32 s7, $0xC  }
0xa: {  	s5 =	sadd.s32 $0x1EA400, s5;
	s11 =	smov.u32 s3;
	s7 =	sadd.s32 $0x2, s6  }
.LBB1_5:
0xb: {  	p1 =	slt.u32 s13, $0x2  }
0xc: {  	s17 =	smov.u32 s15;
	p2 =	sgt.s32 @!p1 s15, $0xF41C0;
	s16 =	sshra.s32 @!p1 s15, $0x1F  }
0xd: {  	p3 =	sgt.s32 @!p1 s14, $0x60;
	s18 =	sshra.s32 @!p1 s14, $0x1F;
	p2 =	por !p2, p1  }
0xe: {  	s15 =	sand.u32 @!p1 s16, s15;
	p3 =	por !p3, p1;
	s16 =	smov.u32 s14  }
0xf: {  	s14 =	sand.u32 @!p1 s18, s14;
	s17 =	simm.s32 @p2 $0xF41C0;
	s16 =	simm.s32 @p3 $0x60  }
0x10: {  	s15 =	ssub.s32 @!p1 s17, s15;
	s14 =	ssub.s32 @!p1 s16, s14  }
0x11: {  	s18 =	smov.u32 s12;
	s16 =	sadd.s32 @!p1 $0xFFF0BE40, s15;
	s17 =	sadd.s32 @!p1 $0xFFFFFFA0, s14  }
0x12: {  	s15 =	ssub.s32 @!p1 $0xF4240, s15;
	p2 =	sgt.s32 @!p1 s16, $0x7F;
	p3 =	sgt.s32 @!p1 s17, $0x1F  }
0x13: {  	s14 =	ssub.s32 @!p1 $0x80, s14;
	p2 =	por !p2, p1;
	p3 =	por !p3, p1  }
0x14: {  	s16 =	sadd.s32 $0x1000, s11;
	s15 =	simm.s32 @!p2 $0x0;
	s14 =	simm.s32 @!p3 $0x0  }
0x15: {  	p2 =	sgt.s32 s16, $0xF423F;
	s14 =	smul.u32 @!p1 s14, s15;
	s15 =	sadd.s32 $0x20, s12  }
0x16: {  	s18 =	smov.u32 @p2 s15  }
0x17: {  	s16 =	smov.u32 @p2 s3;
	p2 =	sgt.s32 s18, $0x1F  }
0x18: {  	p0 =	por !p0, !p0;
	s18 =	simm.s32 @p2 $0x0;
	p2 =	sne.s32 s13, s7  }
.Ltmp1:
0x19: {  	s17 =	simm.s32 @!p1 $0x2;
	s14 =	sshrl.u32 @!p1 s14, $0x1;
	(pc) =	sbr.rel @!p2 .LBB1_6-.Ltmp1, $4  }
0x1a: {  	s15 =	smov.u32 s9;
	s9 =	smov.u32 s11;
	s14 =	sand.u32 @!p1 $0x3FFFFFFF, s14  }
0x1b: {  	s11 =	smov.u32 s16;
	s13 =	sadd.s32 $0x1, s13;
	_ =	swait.ge @!p1 [sflag:s17], s14  }
0x1c: {  	s19 =	ssub.s32 @!p1 $0x0, s14;
	s14 =	smov.u32 s10;
	[sflag:s17] =	ssyncset.done @!p1 $0x0  }
0x1d: {  	s10 =	smov.u32 s12;
	s12 =	smov.u32 s18;
	[sflag:s17] =	ssyncadd.s32 @!p1 s19  }
.LBB1_1:
0x1e: {  	p1 =	sgt.u32 s13, s6  }
0x1f: {  	s16 =	sshrl.u32 @!p1 s12, $0x3  }
0x20: {  	s17 =	sshll.u32 @!p1 s11, $0x3;
	s16 =	smul.u32 @!p1 $0x7A1400, s16  }
0x21: {  	s18 =	sshll.u32 @!p1 s12, $0x7;
	s17 =	sand.u32 @!p1 $0xFFFFFC00, s17  }
0x22: {  	s16 =	sadd.s32 @!p1 s16, s17;
	s17 =	sand.u32 @!p1 $0x300, s18;
	s18 =	sshll.u32 @!p1 s11, $0x1  }
0x23: {  	s16 =	sor.u32 @!p1 s17, s16;
	s17 =	sand.u32 @!p1 $0xFE, s18  }
0x24: {  	s18 =	sand.u32 @!p1 $0x1, s12;
	s16 =	sor.u32 @!p1 s17, s16  }
0x25: {  	s17 =	sor.u32 @!p1 s18, s16  }
0x26: {  	s18 =	smulhi.u32 @!p1 $0x218D6287, s17;
	_ =	sdelay $0x1  }
0x27: {  	s16 =	smulhi.u32 @!p1 $0x218D6287, s16;
	s18 =	sshrl.u32 @!p1 s18, $0x11  }
0x28: {  	s18 =	smul.u32 @!p1 $0xF4280, s18  }
0x29: {  	s16 =	sshrl.u32 @!p1 s16, $0x11  }
0x2a: {  	s16 =	sand.u32 @!p1 $0x1F, s16;
	s17 =	ssub.s32 @!p1 s17, s18  }
0x2b: {  	s16 =	smul.u32 @!p1 $0xF428, s16;
	s18 =	sshrl.u32 @!p1 s17, $0x4  }
0x2c: {  	s19 =	sxor.u32 @!p1 $0xFFFFFFFF, s13;
	s17 =	sshll.u32 @!p1 s17, $0x11;
	s18 =	sadd.s32 @!p1 s2, s18  }
0x2d: {  	s17 =	sand.u32 @!p1 $0x1C0000, s17;
	s16 =	sadd.s32 @!p1 s16, s18;
	s18 =	sshll.u32 @!p1 s19, $0xB  }
0x2e: {  	s17 =	sor.u32 @!p1 $0x200, s17;
	s19 =	simm.s32 @!p1 $0x3D0A00;
	s18 =	sand.u32 @!p1 $0x800, s18  }
0x2f: {  	[tilespmem:s18], [sflag:$0x1] =	stream.strided.gather @!p1 [hbm4b:s16+s17], $0x800, s19, s17, $0x38;
	[tilespmem:$0x2080] =	vst v63  }
0x30: {  	p1 =	seq.s32 s13, $0x0  }
0x31: {  	p2 =	sge.u32 @!p1 s13, s7  }
0x32: {  	p1 =	por p1, p2  }
.Ltmp2:
0x33: {  	_ = 	snop;
	(pc) =	sbr.rel @p1 .LBB1_5-.Ltmp2, $1  }
0x34: {  	_ =	sdelay $0x3  }
0x35: {  	s16 =	simm.s32 $0x1  }
0x36: {  	_ =	swait.ge [sflag:s4], $0x800;
	s16 =	simm.s32 @!p0 $0x0  }
0x37: {  	[sflag:s4] =	ssyncset.done $0x0;
	s16 =	sshll.u32 s16, $0xB  }
0x38: {  	[sflag:s4] =	ssyncadd.s32 $0xFFFFF800;
	s16 =	sor.u32 $0x40, s16  }
0x39: {  	v0 =	vld [tilespmem:s16+$0x20]  }
0x3a: {  	v1 =	vld [tilespmem:s16+$0x30]  }
0x3b: {  	v2 =	vld [tilespmem:s16+$0xFFFFFFD0]  }
0x3c: {  	v5 =	vld [tilespmem:s16+$0x0]  }
0x3d: {  	v6 =	vld [tilespmem:s16+$0x10]  }
0x3e: {  	s17 =	sand.u32 $0x1, s13;
	v3 =	vld [tilespmem:s16+$0xFFFFFFE0]  }
0x3f: {  	s17 =	smul.u32 $0x2100, s17;
	v4 =	vld [tilespmem:s16+$0xFFFFFFF0]  }
0x40: {  	s18 =	simm.s32 $0x0;
	v1 =	vperm.xlane.i2c.b16 v1  }
0x41: {  	s19 =	sand.u32 $0x1C, s18;
	s17 =	sshrl.u32 s17, $0x2;
	v8 =	vld [tilespmem:s16+$0xFFFFFFC0];
	s20 =	sadd.s32 $0x80, s16;
	v7 =	vperm.xlane.i2c.b16 v0;
	v0 =	vperm.xlane.i2c.b16 v2  }
0x42: {  	s30 =	sand.u32 $0x20, s18;
	s31 =	sshrl.u32 s19, $0x1;
	s16 =	sor.u32 $0x1000, s17;
	v11 =	vld [tilespmem:s20+$0x30];
	v10 =	vperm.xlane.i2c.b16 v5;
	v13 =	vperm.xlane.i2c.b16 v6  }
0x43: {  	s17 =	sshrl.u32 s30, $0x1;
	s18 =	sadd.s32 s31, s16;
	v2 =	vld [tilespmem:s20+$0x20];
	v3 =	vperm.xlane.i2c.b16 v3;
	v9 =	vcombine.low v7, v1  }
0x44: {  	v12 =	vld [tilespmem:s20+$0xFFFFFFD0];
	s17 =	sadd.s32 s17, s18;
	v4 =	vperm.xlane.i2c.b16 v4;
	v14 =	vcombine.low v10, v13  }
0x45: {  	v1 =	vcombine.high v7, v1;
	v7 =	vld [tilespmem:s20+$0xFFFFFFE0];
	[tilespmem:s17+$0x630 ss:$0x21] =	vst.msk $0xffff, v9  }
0x46: {  	v6 =	vld [tilespmem:s20+$0xFFFFFFF0];
	v5 =	vperm.xlane.i2c.b16 v8;
	v9 =	vcombine.low v3, v4;
	[tilespmem:s17+$0x420 ss:$0x21] =	vst.msk $0xffff, v14  }
0x47: {  	s18 =	simm.s32 $0x4;
	v8 =	vperm.xlane.i2c.b16 v11;
	[tilespmem:s17+$0x631 ss:$0x21] =	vst.msk $0xffff, v1;
	v1 =	vcombine.high v3, v4;
	v4 =	vld [tilespmem:s20+$0x0]  }
0x48: {  	s19 =	simm.s32 $0x2;
	s22 =	sand.u32 $0x1C, s18;
	v10 =	vcombine.high v10, v13;
	v3 =	vld [tilespmem:s20+$0x10];
	[tilespmem:s17+$0x210 ss:$0x21] =	vst.msk $0xffff, v9;
	v9 =	vperm.xlane.i2c.b16 v2  }
0x49: {  	s21 =	sand.u32 $0x20, s18;
	s22 =	sshrl.u32 s22, $0x1;
	v11 =	vcombine.low v5, v0;
	v2 =	vld [tilespmem:s20+$0xFFFFFFC0];
	s20 =	sadd.s32 $0x80, s20;
	[tilespmem:s17+$0x211 ss:$0x21] =	vst.msk $0xffff, v1;
	v1 =	vperm.xlane.i2c.b16 v12  }
.LBB1_3:
0x4a: {  	v12 =	vld [tilespmem:s20+$0x20];
	s22 =	sadd.s32 s22, s16;
	s21 =	sshrl.u32 s21, $0x1;
	v13 =	vperm.xlane.i2c.b16 v7;
	v7 =	vcombine.low v9, v8;
	[tilespmem:s17+$0x421 ss:$0x21] =	vst.msk $0xffff, v10  }
0x4b: {  	s19 =	sadd.s32 $0x2, s19;
	v14 =	vld [tilespmem:s20+$0x30];
	s21 =	sadd.s32 s21, s22;
	v10 =	vperm.xlane.i2c.b16 v6;
	v6 =	vcombine.high v9, v8;
	[tilespmem:s17+$0x0 ss:$0x21] =	vst.msk $0xffff, v11  }
0x4c: {  	p1 =	slt.u32 s19, $0x1E;
	v11 =	vld [tilespmem:s20+$0xFFFFFFD0];
	v8 =	vperm.xlane.i2c.b16 v4;
	[tilespmem:s21+$0x630 ss:$0x21] =	vst.msk $0xffff, v7;
	v4 =	vcombine.high v5, v0;
	v0 =	vmov v1  }
.Ltmp3:
0x4d: {  	v7 =	vld [tilespmem:s20+$0xFFFFFFE0];
	v1 =	vcombine.low v13, v10;
	v3 =	vperm.xlane.i2c.b16 v3;
	[tilespmem:s21+$0x631 ss:$0x21] =	vst.msk $0xffff, v6;
	(pc) =	sbr.rel @p1 .LBB1_3-.Ltmp3, $4  }
0x4e: {  	v6 =	vld [tilespmem:s20+$0xFFFFFFF0];
	v5 =	vperm.xlane.i2c.b16 v2;
	v2 =	vcombine.high v13, v10;
	[tilespmem:s17+$0x1 ss:$0x21] =	vst.msk $0xffff, v4;
	s17 =	smov.u32 s21  }
0x4f: {  	s18 =	sadd.s32 $0x4, s18;
	v4 =	vld [tilespmem:s20+$0x0];
	[tilespmem:s17+$0x210 ss:$0x21] =	vst.msk $0xffff, v1;
	v13 =	vcombine.low v8, v3;
	v10 =	vcombine.high v8, v3  }
0x50: {  	s22 =	sand.u32 $0x1C, s18;
	v9 =	vperm.xlane.i2c.b16 v12;
	v3 =	vld [tilespmem:s20+$0x10];
	v8 =	vperm.xlane.i2c.b16 v14;
	[tilespmem:s17+$0x211 ss:$0x21] =	vst.msk $0xffff, v2  }
0x51: {  	s22 =	sshrl.u32 s22, $0x1;
	s21 =	sand.u32 $0x20, s18;
	v2 =	vld [tilespmem:s20+$0xFFFFFFC0];
	v1 =	vperm.xlane.i2c.b16 v11;
	s20 =	sadd.s32 $0x80, s20;
	v11 =	vcombine.low v5, v0;
	[tilespmem:s17+$0x420 ss:$0x21] =	vst.msk $0xffff, v13  }
0x52: {  	s18 =	sadd.s32 s22, s16;
	s19 =	sshll.u32 s9, $0x7;
	s20 =	sshll.u32 s10, $0x3  }
0x53: {  	s21 =	sshrl.u32 s21, $0x1;
	s24 =	sshll.u32 s10, $0x1;
	p1 =	sgt.s32 s9, $0xF41C0  }
0x54: {  	s22 =	smov.u32 s9;
	s26 =	sshra.s32 s9, $0x1F;
	s23 =	sand.u32 $0xFFFFFC00, s19  }
0x55: {  	s20 =	sand.u32 $0xFFFFFC00, s20;
	s19 =	sand.u32 $0x300, s19;
	s25 =	sand.u32 $0x80, s24  }
0x56: {  	s18 =	sadd.s32 s21, s18;
	s22 =	simm.s32 @!p1 $0xF41C0;
	p1 =	sgt.s32 s10, $0x60  }
0x57: {  	s21 =	smov.u32 s10;
	s20 =	sadd.s32 s20, s23;
	s23 =	sshra.s32 s10, $0x1F  }
0x58: {  	s21 =	simm.s32 @!p1 $0x60;
	s19 =	sor.u32 s19, s20;
	s20 =	sand.u32 s26, s9  }
0x59: {  	v7 =	vperm.xlane.i2c.b16 v7;
	[tilespmem:s17+$0x421 ss:$0x21] =	vst.msk $0xffff, v10;
	v0 =	vcombine.high v5, v0;
	s23 =	sand.u32 s23, s10;
	s19 =	sor.u32 s25, s19;
	s20 =	ssub.s32 s22, s20  }
0x5a: {  	v57 =	vcombine.low v9, v8;
	v6 =	vperm.xlane.i2c.b16 v6;
	[tilespmem:s17+$0x0 ss:$0x21] =	vst.msk $0xffff, v11;
	s21 =	ssub.s32 s21, s23;
	s19 =	sshrl.u32 s19, $0x7;
	s22 =	sadd.s32 $0xFFF0BE40, s20  }
0x5b: {  	v58 =	vcombine.high v9, v8;
	v4 =	vperm.xlane.i2c.b16 v4;
	[tilespmem:s17+$0x1 ss:$0x21] =	vst.msk $0xffff, v0;
	s23 =	sadd.s32 $0xFFFFFFA0, s21;
	s20 =	ssub.s32 $0xF4240, s20;
	s21 =	ssub.s32 $0x80, s21  }
0x5c: {  	[tilespmem:s18+$0x630 ss:$0x21] =	vst.msk $0xffff, v57;
	v59 =	vcombine.low v7, v6;
	v3 =	vperm.xlane.i2c.b16 v3;
	s27 =	smulhi.u32 $0x218DEF5, s19;
	p1 =	sgt.s32 s22, $0x7F;
	p2 =	sgt.s32 s23, $0x1F  }
0x5d: {  	[tilespmem:s18+$0x631 ss:$0x21] =	vst.msk $0xffff, v58;
	v60 =	vcombine.high v7, v6;
	s20 =	simm.s32 @p1 $0x0;
	s21 =	simm.s32 @p2 $0x0  }
0x5e: {  	v2 =	vperm.xlane.i2c.b16 v2;
	[tilespmem:s18+$0x210 ss:$0x21] =	vst.msk $0xffff, v59;
	v61 =	vcombine.low v4, v3;
	s17 =	sshrl.u32 s27, $0xD;
	s20 =	smul.u32 s21, s20  }
0x5f: {  	v3 =	vcombine.high v4, v3;
	[tilespmem:s18+$0x211 ss:$0x21] =	vst.msk $0xffff, v60;
	s17 =	smul.u32 $0xF4240, s17  }
.Ltmp4:
0x60: {  	s28 =	sshrl.u32 s10, $0x3;
	s29 =	sand.u32 $0x7, s10;
	v62 =	vcombine.low v2, v1;
	[tilespmem:s18+$0x420 ss:$0x21] =	vst.msk $0xffff, v61;
	(pc) =	sbr.rel .LBB1_5-.Ltmp4, $4  }
0x61: {  	v63 =	vcombine.high v2, v1;
	[tilespmem:s18+$0x421 ss:$0x21] =	vst.msk $0xffff, v3;
	s21 =	sshll.u32 s29, $0x12;
	s17 =	ssub.s32 s19, s17;
	s19 =	sand.u32 $0x7, s28  }
0x62: {  	[tilespmem:s18+$0x0 ss:$0x21] =	vst.msk $0xffff, v62;
	s20 =	sshrl.u32 s20, $0x1;
	s17 =	sshll.u32 s17, $0x3;
	s19 =	sadd.s32 s5, s19  }
0x63: {  	[tilespmem:s18+$0x1 ss:$0x21] =	vst.msk $0xffff, v63;
	s31 =	sor.u32 $0x20, s21;
	s30 =	sand.u32 $0x3FFFFFFF, s20;
	s17 =	sadd.s32 s17, s19  }
0x64: {  	[hbm4b:s17+s31] =	stream.strided.scatter [tilespmem:s16], [sflag:$0x2], s30, s8, s31, $0x10;
	[tilespmem:$0x2080] =	vst v63  }
.LBB1_6:
0x65: {  	_ =	sfence.sel $0x180000  }
0x66: {  	s2 =	simm.s32 $0x1;
	[bflag:$0x0] =	sbarrier.arrive $0xFFFF  }
0x67: {  	s31 =	simm.s32 $0x2;
	[sflag:s2] =	ssyncpa.u1 $0x1  }
0x68: {  	[sflag:s31] =	ssyncpa.u1 $0x1  }
0x69: {  	p0 =	sne.s32 s1, $0x0;
	_ =	strace $0x90000047  }
0x6a: {  	s0 =	sadd.s32 @!p0 $0x100000, s0;
	[bflag:$0x2] =	sbarrier.arrive $0xFFFF  }
0x6b: {  	[sflag:s0] =	ssyncadd.tile.s32 @!p0 $0x1;
	_ =	shalt  }
.Lfunc_end1:
_tile_overlayer_lowered:
.L_overlay_start_2:
0x6c: {  	(tag) =	ssettag $0x2  }
0x6d: {  	s0 =	rddreg [dreg:$0x0];
	s2 =	stileid.u32  }
0x6e: {  	s1 =	rddreg [dreg:$0x1];
	p0 =	sne.s32 s2, $0x0  }
0x6f: {  	s3 =	rddreg [dreg:$0x2];
	[bflag:$0x3] =	sbarrier.arrive $0xFFFF;
	s2 =	simm.s32 @!p0 $0x1C01  }
0x70: {  	[timem:s3], [sflag:s2] =	dma.local @!p0 [hbm:s0], s1  }
0x71: {  	s0 =	simm.s32 @!p0 $0x1  }
0x72: {  	_ =	swait.ge @!p0 [sflag:s0], s1  }
0x73: {  	s1 =	ssub.s32 @!p0 $0x0, s1;
	[sflag:s0] =	ssyncset.done @!p0 $0x0  }
0x74: {  	[sflag:s0] =	ssyncadd.s32 @!p0 s1  }
0x75: {  	[bflag:$0x3] =	sbarrier.arrive $0xFFFF  }
0x76: {  	_ =	shalt  }

// kernel: sparse-core-data-format-call.cloned.1.call-start
scs
called_computation_lowered:
.L_overlay_start_0:
0x0: {  	s2 =	sld [smem:$0x3FD9]  }
0x1: {  	s3 =	sld [smem:$0x3FFE];
	_ =	sdelay $0x1  }
0x2: {  	s1 =	srdreg.scid  }
0x3: {  	s0 =	sand.u32 $0x1, s1  }
0x4: {  	s18 =	sshll.u32 s0, $0xA;
	s2 =	sadd.s32 s3, s2  }
0x5: {  	s2 =	sadd.s32 s2, s18  }
0x6: {  	[smem:$0x3FBC] =	sst s2  }
0x7: {  	_ = 	snop  }
0x8: {  	(tm) =	ssettm $0x1  }
0x9: {  	s19 =	sld [smem:$0x3FFB];
	_ =	sdelay $0x3  }
0xa: {  	_ =	strace s19  }
0xb: {  	s2 =	sld [smem:$0x3FFC];
	_ =	sdelay $0x3  }
0xc: {  	_ =	strace s2  }
0xd: {  	s2 =	sld [smem:$0x3FFD];
	_ =	sdelay $0x3  }
0xe: {  	_ =	strace s2  }
0xf: {  	_ =	strace $0x8FFFFFFF  }
0x10: {  	s20 =	sld [smem:$0x3FDB];
	_ =	sdelay $0x1  }
0x11: {  	s21 =	simm.s32 $_scs_section_size  }
0x12: {  	s4 =	simm.s32 $_size__tile_overlayer_lowered;
	s5 =	simm.s32 $_tile_overlayer_lowered  }
0x13: {  	s6 =	simm.s32 $0x1BFF;
	s22 =	sshll.u32 s5, $0x1;
	s3 =	sadd.s32 s21, s20  }
0x14: {  	s23 =	simm.s32 $0x0;
	s4 =	sshll.u32 s4, $0x1;
	s5 =	sadd.s32 s22, s3  }
0x15: {  	[timem:s23], [sflag:s6] =	dma.local [hbm:s5], s4  }
0x16: {  	_ =	swait.ge [sflag:s6], s4  }
0x17: {  	s4 =	ssub.s32 $0x0, s4;
	[sflag:s6] =	ssyncset.done $0x0  }
0x18: {  	[sflag:s6] =	ssyncadd.s32 s4;
	_ =	sdelay $0x1  }
0x19: {  	s24 =	simm.s32 $0x1B8B  }
0x1a: {  	_ =	swait.ge [sflag:s24], $0x1  }
0x1b: {  	[sflag:s24] =	ssyncset.done $0x0  }
0x1c: {  	[sflag:s24] =	ssyncadd.s32 $0xFFFFFFFF  }
0x1d: {  	s4 =	sld [smem:$0x0]  }
0x1e: {  	s5 =	sand.u32 $0xFFFFFFFE, s1  }
0x1f: {  	p0 =	sne.s32 s1, s5  }
0x20: {  	s5 =	sshll.u32 @p0 s5, $0xE  }
0x21: {  	s5 =	sadd.s32 @p0 $0x11B8D, s5;
	s6 =	sshll.u32 @p0 s4, $0x11  }
0x22: {  	s5 =	sor.u32 @p0 s6, s5  }
0x23: {  	[sflag:s5] =	ssyncadd.remote.s32 @p0 $0x1;
	_ =	sdelay $0x1  }
0x24: {  	s5 =	simm.s32 @p0 $0x1B8D  }
0x25: {  	_ =	swait.eq @p0 [sflag:s5], $0x1  }
0x26: {  	[sflag:s5] =	ssyncadd.s32 @p0 $0xFFFFFFFF  }
0x27: {  	s6 =	sshll.u32 @!p0 s1, $0xE  }
0x28: {  	s6 =	sor.u32 @!p0 $0x4000, s6;
	s5 =	simm.s32 @!p0 $0x1B8D  }
0x29: {  	s4 =	sshll.u32 @!p0 s4, $0x11;
	s6 =	sadd.s32 @!p0 $0x11B8D, s6;
	_ =	swait.eq @!p0 [sflag:s5], $0x1  }
0x2a: {  	s4 =	sor.u32 @!p0 s4, s6;
	[sflag:s5] =	ssyncadd.s32 @!p0 $0xFFFFFFFF  }
0x2b: {  	s26 =	simm.s32 $0x1B8E;
	s25 =	sld [smem:$0x3FFE];
	[sflag:s4] =	ssyncadd.remote.s32 @!p0 $0x1  }
0x2c: {  	s27 =	simm.s32 $execute0_lowered;
	[smem:$0x3FD2] =	sst s26  }
0x2d: {  	s5 =	sshll.u32 s27, $0x1;
	_ =	strace $0x8000004F;
	[dreg:$0x1] =	wrdreg $0xFFFFFFFF  }
0x2e: {  	s28 =	simm.s32 $_size_execute0_lowered;
	s3 =	sadd.s32 s3, s5;
	[dreg:$0x0] =	wrdreg $0x0  }
0x2f: {  	s5 =	sshll.u32 s28, $0x1;
	[dreg:$0x2] =	wrdreg s3  }
0x30: {  	[dreg:$0x3] =	wrdreg s5  }
0x31: {  	[dreg:$0x4] =	wrdreg $0xC0  }
0x32: {  	_ =	task [dreg:s23], $0x5FFFF  }
0x33: {  	[dreg:$0x1] =	wrdreg $0xFFFFFFFF  }
0x34: {  	[dreg:$0x0] =	wrdreg $0x60  }
0x35: {  	[dreg:$0x2] =	wrdreg s25  }
0x36: {  	[dreg:$0x3] =	wrdreg $0x9  }
0x37: {  	_ =	task.clear_ibuf [dreg:s23], $0x4FFFF;
	_ =	strace $0x9000004F  }
0x38: {  	s29 =	simm.s32 $0x9;
	_ =	strace $0x80000051  }
0x39: {  	_ =	swait.ge [sflag:s29], $0x1  }
0x3a: {  	[sflag:s29] =	ssyncadd.s32 $0xFFFFFFFF  }
0x3b: {  	_ =	strace $0x90000051  }
0x3c: {  	_ =	sfence  }
0x3d: {  	s30 =	sld [smem:$0x0];
	_ =	sdelay $0x2  }
0x3e: {  	s31 =	sshll.u32 s1, $0xD;
	s1 =	sshrl.u32 s1, $0x2  }
0x3f: {  	s4 =	sand.u32 $0x4000, s31;
	s1 =	sadd.s32 s1, s30  }
0x40: {  	s0 =	sor.u32 s4, s0;
	s1 =	sshll.u32 s1, $0x11  }
0x41: {  	s0 =	sor.u32 s1, s0  }
0x42: {  	s0 =	sadd.s32 $0x8F2B, s0  }
0x43: {  	[sflag:s0] =	ssyncadd.remote.s32 $0x1  }
0x44: {  	_ =	sfence.sel $0xFFFF  }
0x45: {  	[dreg:$0x0] =	wrdreg $0xFFFFFFFF;
	(pc) =	sbr.abs _section_cstart, $3  }
0x46: {  	[dreg:$0x1] =	wrdreg $0xFFFFFFFF  }
0x47: {  	_ =	task.clear_ibuf [dreg:s23], $0x2FFFF;
	_ =	strace $0x9FFFFFFF  }
0x48: {  	(tm) =	ssettm $0x7FFFFFFF  }
0x49: {  	_ =	shalt  }
tec
execute0_lowered:
.L_overlay_start_1:
0x0: {  	(tag) =	ssettag $0x1  }
0x1: {  	s0 =	srdreg.scid  }
0x2: {  	s5 =	rddreg [dreg:$0x0];
	s1 =	stileid.u32;
	s4 =	simm.s32 $0x1  }
0x3: {  	s6 =	simm.s32 $0x2;
	s8 =	simm.s32 $0x0;
	s2 =	sshll.u32 s0, $0x4  }
0x4: {  	s9 =	simm.s32 $0x0;
	s13 =	simm.s32 $0x0;
	s2 =	sand.u32 $0x10, s2  }
.Ltmp0:
0x5: {  	s10 =	simm.s32 $0x0;
	s3 =	sor.u32 s1, s2;
	(pc) =	sbr.rel .LBB1_1-.Ltmp0, $4  }
0x6: {  	s0 =	rddreg [dreg:$0x1];
	_ =	strace $0x80000050;
	s3 =	sshll.u32 s3, $0x4  }
0x7: {  	s12 =	simm.s32 $0x0;
	[sflag:s4] =	ssyncpa.u1 $0x0;
	s7 =	ssub.s32 $0x3D00, s3  }
0x8: {  	s2 =	sadd.s32 $0x5BB000, s5;
	[sflag:s6] =	ssyncpa.u1 $0x0;
	s6 =	sshrl.u32 s7, $0x9  }
0x9: {  	s5 =	sadd.s32 $0x3D2A00, s5;
	s11 =	smov.u32 s3;
	s7 =	sadd.s32 $0x2, s6  }
.LBB1_7:
0xa: {  	s15 =	sshll.u32 s12, $0xF  }
0xb: {  	s15 =	sand.u32 $0x8000, s15  }
0xc: {  	s16 =	sshll.u32 s10, $0x7;
	s15 =	sshrl.u32 s15, $0x1  }
0xd: {  	s16 =	sadd.s32 s5, s16;
	s15 =	sor.u32 $0x8000, s15  }
0xe: {  	[hbm4b:s16+s8] =	stream.linear.scatter [tilespmem:s15], [sflag:$0x2], s14, $0x38;
	[tilespmem:$0x10000] =	vst v63  }
.LBB1_8:
0xf: {  	p0 =	slt.u32 s12, $0x2  }
0x10: {  	p1 =	sgt.s32 @!p0 s13, $0x3CF9  }
0x11: {  	s14 =	smov.u32 s13;
	s15 =	sshra.s32 @!p0 s13, $0x1F;
	p1 =	por !p1, p0  }
0x12: {  	s13 =	sand.u32 @!p0 s15, s13;
	s14 =	simm.s32 @p1 $0x3CF9  }
0x13: {  	s13 =	ssub.s32 @!p0 s14, s13  }
0x14: {  	s13 =	sadd.s32 @!p0 $0xFFFFC307, s13  }
0x15: {  	s14 =	sshll.u32 @!p0 s13, $0xC  }
0x16: {  	p1 =	sgt.s32 @!p0 s13, $0xF;
	s13 =	ssub.s32 @!p0 $0x10000, s14  }
0x17: {  	s15 =	sadd.s32 $0x200, s11;
	p1 =	por !p1, p0;
	s13 =	sshrl.u32 @!p0 s13, $0x2  }
0x18: {  	s13 =	simm.s32 @!p1 $0x0;
	p1 =	sgt.s32 s15, $0x3D08  }
0x19: {  	s15 =	smov.u32 @p1 s3;
	p1 =	sne.s32 s12, s7  }
.Ltmp1:
0x1a: {  	_ = 	snop;
	(pc) =	sbr.rel @!p1 .LBB1_9-.Ltmp1, $4  }
0x1b: {  	s14 =	simm.s32 @!p0 $0x2  }
0x1c: {  	s9 =	sadd.s32 $0x8000, s9;
	_ =	swait.ge @!p0 [sflag:s14], s13;
	s16 =	ssub.s32 @!p0 $0x0, s13  }
0x1d: {  	s13 =	smov.u32 s10;
	s12 =	sadd.s32 $0x1, s12;
	[sflag:s14] =	ssyncset.done @!p0 $0x0  }
0x1e: {  	s10 =	smov.u32 s11;
	s11 =	smov.u32 s15;
	[sflag:s14] =	ssyncadd.s32 @!p0 s16  }
.LBB1_1:
0x1f: {  	p0 =	sgt.u32 s12, s6  }
0x20: {  	p1 =	sgt.s32 @!p0 s11, $0x3CF9  }
0x21: {  	s14 =	smov.u32 s11;
	s15 =	sshra.s32 @!p0 s11, $0x1F;
	p1 =	por !p1, p0  }
0x22: {  	s15 =	sand.u32 @!p0 s15, s11;
	s14 =	simm.s32 @p1 $0x3CF9  }
0x23: {  	s14 =	ssub.s32 @!p0 s14, s15  }
0x24: {  	s14 =	sadd.s32 @!p0 $0xFFFFC307, s14  }
0x25: {  	s16 =	sshll.u32 @!p0 s11, $0x7;
	s17 =	simm.s32 @!p0 $0x0;
	s15 =	sshll.u32 @!p0 s14, $0xC  }
0x26: {  	p1 =	sgt.s32 @!p0 s14, $0xF;
	s14 =	ssub.s32 @!p0 $0x10000, s15;
	s15 =	sxor.u32 @!p0 $0xFFFFFFFF, s12  }
0x27: {  	p1 =	por !p1, p0;
	s14 =	sshrl.u32 @!p0 s14, $0x2;
	s15 =	sshll.u32 @!p0 s15, $0xE  }
0x28: {  	s16 =	sadd.s32 @!p0 s2, s16;
	s14 =	simm.s32 @!p1 $0x0;
	s15 =	sand.u32 @!p0 $0x4000, s15  }
0x29: {  	[tilespmem:s15], [sflag:$0x1] =	stream.linear.gather @!p0 [hbm4b:s16+s17], s14, $0x38;
	[tilespmem:$0x10000] =	vst v63  }
0x2a: {  	p0 =	seq.s32 s12, $0x0  }
0x2b: {  	p1 =	sge.u32 @!p0 s12, s7  }
0x2c: {  	p0 =	por p0, p1  }
.Ltmp2:
0x2d: {  	_ = 	snop;
	(pc) =	sbr.rel @p0 .LBB1_8-.Ltmp2, $1  }
0x2e: {  	_ =	sdelay $0x3  }
0x2f: {  	p0 =	sgt.s32 s10, $0x3CF9;
	s14 =	smov.u32 s10;
	s15 =	sshra.s32 s10, $0x1F  }
0x30: {  	s14 =	simm.s32 @!p0 $0x3CF9;
	s15 =	sand.u32 s15, s10  }
0x31: {  	s14 =	ssub.s32 s14, s15  }
0x32: {  	s16 =	sadd.s32 $0x10, s10;
	s14 =	sadd.s32 $0xFFFFC307, s14  }
0x33: {  	p1 =	slt.s32 s16, $0x3D09;
	s30 =	sshll.u32 s14, $0xC  }
0x34: {  	s16 =	simm.s32 @!p1 $0x3D09;
	s15 =	ssub.s32 $0x10000, s30  }
0x35: {  	p0 =	sgt.s32 s14, $0xF;
	s14 =	sshrl.u32 s15, $0x2;
	s15 =	ssub.s32 s16, s10  }
0x36: {  	s14 =	simm.s32 @p0 $0x0;
	p0 =	slt.s32 s15, $0x1  }
.Ltmp3:
0x37: {  	_ = 	snop;
	(pc) =	sbr.rel @p0 .LBB1_7-.Ltmp3, $4  }
0x38: {  	_ = 	snop  }
0x39: {  	_ =	swait.ge [sflag:s4], s14  }
0x3a: {  	s31 =	ssub.s32 $0x0, s14;
	[sflag:s4] =	ssyncset.done $0x0  }
0x3b: {  	[sflag:s4] =	ssyncadd.s32 s31  }
0x3c: {  	s16 =	sshrl.u32 s9, $0x1  }
0x3d: {  	s17 =	sand.u32 $0x4000, s16  }
0x3e: {  	s18 =	simm.s32 $0x0;
	s16 =	sor.u32 $0x200, s17;
	s17 =	sor.u32 $0x8080, s17  }
.LBB1_4:
0x3f: {  	v0 =	vld [tilespmem:s16+$0xFFFFFE70]  }
0x40: {  	v1 =	vld [tilespmem:s16+$0x70]  }
0x41: {  	v2 =	vld [tilespmem:s16+$0x0]  }
0x42: {  	v3 =	vld [tilespmem:s16+$0xFFFFFE10]  }
0x43: {  	v4 =	vld [tilespmem:s16+$0x10]  }
0x44: {  	v5 =	vld [tilespmem:s16+$0xFFFFFE20]  }
0x45: {  	v7 =	vld [tilespmem:s16+$0x20]  }
0x46: {  	v11 =	vld [tilespmem:s16+$0x30];
	v6 =	vunpack.i.l.s16.s32 v0;
	v8 =	vunpack.i.u.s16.s32 v0;
	v9 =	vunpack.i.u.s16.s32 v1  }
0x47: {  	v10 =	vunpack.i.l.s16.s32 v1;
	v0 =	vunpack.i.u.s16.s32 v2;
	v1 =	vunpack.i.l.s16.s32 v2;
	v2 =	vld [tilespmem:s16+$0xFFFFFE30]  }
0x48: {  	v8 =	vpack.i.b32.b16 v9, v8;
	v9 =	vunpack.i.u.s16.s32 v3;
	v3 =	vunpack.i.l.s16.s32 v3  }
0x49: {  	v12 =	vld [tilespmem:s16+$0xFFFFFE40];
	v6 =	vpack.i.b32.b16 v10, v6;
	[tilespmem:s17+$0x70] =	vst v8;
	v8 =	vunpack.i.u.s16.s32 v4;
	v4 =	vunpack.i.l.s16.s32 v4  }
0x4a: {  	v13 =	vld [tilespmem:s16+$0x40];
	v10 =	vunpack.i.u.s16.s32 v5;
	v5 =	vunpack.i.l.s16.s32 v5;
	[tilespmem:s17+$0xFFFFFFF0] =	vst v6;
	v3 =	vpack.i.b32.b16 v4, v3  }
0x4b: {  	v6 =	vunpack.i.l.s16.s32 v7;
	v4 =	vld [tilespmem:s16+$0xFFFFFE50];
	[tilespmem:s17+$0xFFFFFF90] =	vst v3;
	v3 =	vpack.i.b32.b16 v8, v9;
	v8 =	vunpack.i.u.s16.s32 v7  }
0x4c: {  	v7 =	vunpack.i.l.s16.s32 v11;
	[tilespmem:s17+$0x10] =	vst v3;
	v3 =	vpack.i.b32.b16 v6, v5;
	v9 =	vunpack.i.u.s16.s32 v2;
	v6 =	vld [tilespmem:s16+$0x50]  }
0x4d: {  	v5 =	vunpack.i.l.s16.s32 v2;
	v2 =	vld [tilespmem:s16+$0xFFFFFE60];
	[tilespmem:s17+$0xFFFFFFA0] =	vst v3;
	v3 =	vpack.i.b32.b16 v8, v10;
	v10 =	vunpack.i.u.s16.s32 v11  }
0x4e: {  	s21 =	simm.s32 $0x0;
	v11 =	vpack.i.b32.b16 v7, v5;
	v7 =	vunpack.i.u.s16.s32 v12;
	v8 =	vunpack.i.l.s16.s32 v12;
	[tilespmem:s17+$0x20] =	vst v3;
	v3 =	vld [tilespmem:s16+$0x60]  }
0x4f: {  	s22 =	sadd.s32 $0x80, s16;
	s20 =	smov.u32 s17;
	s19 =	smov.u32 s17;
	v5 =	vld [tilespmem:s16+$0xFFFFFE00];
	[tilespmem:s17+$0xFFFFFFB0] =	vst v11;
	v10 =	vpack.i.b32.b16 v10, v9;
	v9 =	vunpack.i.u.s16.s32 v13;
	v11 =	vunpack.i.l.s16.s32 v13  }
.LBB1_5:
0x50: {  	v12 =	vld [tilespmem:s22+$0xFFFFFE70];
	[tilespmem:s20+$0x30] =	vst v10;
	v8 =	vpack.i.b32.b16 v11, v8;
	v10 =	vunpack.i.u.s16.s32 v4;
	v4 =	vunpack.i.l.s16.s32 v4  }
0x51: {  	s21 =	sadd.s32 $0x2, s21;
	v7 =	vpack.i.b32.b16 v9, v7;
	v11 =	vld [tilespmem:s22+$0x70];
	[tilespmem:s20+$0xFFFFFFC0] =	vst v8;
	v8 =	vunpack.i.u.s16.s32 v6;
	v6 =	vunpack.i.l.s16.s32 v6  }
0x52: {  	p0 =	slt.u32 s21, $0x6;
	v9 =	vld [tilespmem:s22+$0x0];
	[tilespmem:s20+$0x40] =	vst v7;
	v4 =	vpack.i.b32.b16 v6, v4;
	v6 =	vunpack.i.u.s16.s32 v2;
	v2 =	vunpack.i.l.s16.s32 v2  }
0x53: {  	v7 =	vld [tilespmem:s22+$0xFFFFFE10];
	[tilespmem:s20+$0xFFFFFFD0] =	vst v4;
	v4 =	vpack.i.b32.b16 v8, v10;
	v8 =	vunpack.i.u.s16.s32 v3;
	v3 =	vunpack.i.l.s16.s32 v3  }
0x54: {  	v10 =	vld [tilespmem:s22+$0x10];
	v13 =	vunpack.i.u.s16.s32 v5;
	v5 =	vunpack.i.l.s16.s32 v5;
	[tilespmem:s20+$0x50] =	vst v4;
	v2 =	vpack.i.b32.b16 v3, v2  }
0x55: {  	v3 =	vld [tilespmem:s22+$0xFFFFFE20];
	v4 =	vunpack.i.l.s16.s32 v12;
	v1 =	vpack.i.b32.b16 v1, v5;
	v5 =	vpack.i.b32.b16 v0, v13;
	[tilespmem:s20+$0xFFFFFFE0] =	vst v2  }
0x56: {  	v12 =	vunpack.i.u.s16.s32 v12;
	v2 =	vld [tilespmem:s22+$0x20];
	v13 =	vunpack.i.u.s16.s32 v11;
	v11 =	vunpack.i.l.s16.s32 v11;
	[tilespmem:s20+$0xFFFFFF80] =	vst v1  }
0x57: {  	s20 =	sadd.s32 $0x100, s20;
	v0 =	vunpack.i.u.s16.s32 v9;
	v1 =	vunpack.i.l.s16.s32 v9;
	v9 =	vld [tilespmem:s22+$0xFFFFFE30];
	v12 =	vpack.i.b32.b16 v13, v12;
	[tilespmem:s19+$0x0] =	vst v5  }
0x58: {  	v6 =	vpack.i.b32.b16 v8, v6;
	v5 =	vunpack.i.u.s16.s32 v7;
	v7 =	vunpack.i.l.s16.s32 v7;
	v13 =	vld [tilespmem:s22+$0x30];
	[tilespmem:s20+$0x70] =	vst v12  }
0x59: {  	v4 =	vpack.i.b32.b16 v11, v4;
	v8 =	vunpack.i.u.s16.s32 v10;
	v10 =	vunpack.i.l.s16.s32 v10;
	v12 =	vld [tilespmem:s22+$0xFFFFFE40];
	[tilespmem:s19+$0x60] =	vst v6;
	s19 =	smov.u32 s20  }
0x5a: {  	v6 =	vpack.i.b32.b16 v10, v7;
	v7 =	vunpack.i.u.s16.s32 v3;
	v3 =	vunpack.i.l.s16.s32 v3;
	v11 =	vld [tilespmem:s22+$0x40];
	[tilespmem:s20+$0xFFFFFFF0] =	vst v4  }
.Ltmp4:
0x5b: {  	v5 =	vpack.i.b32.b16 v8, v5;
	[tilespmem:s20+$0xFFFFFF90] =	vst v6;
	v8 =	vunpack.i.u.s16.s32 v2;
	v2 =	vunpack.i.l.s16.s32 v2;
	v4 =	vld [tilespmem:s22+$0xFFFFFE50];
	(pc) =	sbr.rel @p0 .LBB1_5-.Ltmp4, $4  }
0x5c: {  	[tilespmem:s20+$0x10] =	vst v5;
	v2 =	vpack.i.b32.b16 v2, v3;
	v10 =	vunpack.i.u.s16.s32 v9;
	v3 =	vunpack.i.l.s16.s32 v9;
	v6 =	vld [tilespmem:s22+$0x50]  }
0x5d: {  	v5 =	vpack.i.b32.b16 v8, v7;
	[tilespmem:s20+$0xFFFFFFA0] =	vst v2;
	v9 =	vunpack.i.u.s16.s32 v13;
	v7 =	vunpack.i.l.s16.s32 v13;
	v2 =	vld [tilespmem:s22+$0xFFFFFE60]  }
0x5e: {  	[tilespmem:s20+$0x20] =	vst v5;
	v13 =	vpack.i.b32.b16 v7, v3;
	v7 =	vunpack.i.u.s16.s32 v12;
	v8 =	vunpack.i.l.s16.s32 v12;
	v3 =	vld [tilespmem:s22+$0x60]  }
0x5f: {  	v10 =	vpack.i.b32.b16 v9, v10;
	v5 =	vld [tilespmem:s22+$0xFFFFFE00];
	[tilespmem:s20+$0xFFFFFFB0] =	vst v13;
	v9 =	vunpack.i.u.s16.s32 v11;
	v11 =	vunpack.i.l.s16.s32 v11;
	s22 =	sadd.s32 $0x80, s22  }
0x60: {  	[tilespmem:s20+$0x30] =	vst v10;
	v8 =	vpack.i.b32.b16 v11, v8  }
0x61: {  	v51 =	vunpack.i.l.s16.s32 v4;
	v7 =	vpack.i.b32.b16 v9, v7;
	[tilespmem:s20+$0xFFFFFFC0] =	vst v8;
	v52 =	vunpack.i.l.s16.s32 v6  }
0x62: {  	v53 =	vunpack.i.u.s16.s32 v4;
	s18 =	sadd.s32 $0x1, s18;
	v54 =	vunpack.i.u.s16.s32 v6;
	[tilespmem:s20+$0x40] =	vst v7;
	v55 =	vpack.i.b32.b16 v52, v51  }
0x63: {  	p0 =	sne.s32 s18, s15;
	v56 =	vunpack.i.l.s16.s32 v2;
	v4 =	vpack.i.b32.b16 v54, v53;
	[tilespmem:s20+$0xFFFFFFD0] =	vst v55;
	v57 =	vunpack.i.l.s16.s32 v3  }
.Ltmp5:
0x64: {  	[tilespmem:s20+$0x50] =	vst v4;
	v58 =	vunpack.i.l.s16.s32 v5;
	v59 =	vpack.i.b32.b16 v57, v56;
	(pc) =	sbr.rel @p0 .LBB1_4-.Ltmp5, $4  }
.Ltmp6:
0x65: {  	v61 =	vunpack.i.u.s16.s32 v2;
	v62 =	vunpack.i.u.s16.s32 v3;
	v1 =	vpack.i.b32.b16 v1, v58;
	[tilespmem:s20+$0xFFFFFFE0] =	vst v59;
	(pc) =	sbr.rel @!p0 .LBB1_7-.Ltmp6, $4  }
0x66: {  	v60 =	vunpack.i.u.s16.s32 v5;
	v63 =	vpack.i.b32.b16 v62, v61;
	[tilespmem:s20+$0xFFFFFF80] =	vst v1  }
0x67: {  	v0 =	vpack.i.b32.b16 v0, v60;
	[tilespmem:s19+$0x60] =	vst v63  }
0x68: {  	s16 =	sadd.s32 $0x400, s16;
	s17 =	sadd.s32 $0x400, s17;
	[tilespmem:s19+$0x0] =	vst v0  }
0x69: {  	_ = 	snop  }
.LBB1_9:
0x6a: {  	_ =	sfence.sel $0x180000  }
0x6b: {  	s2 =	simm.s32 $0x1;
	[bflag:$0x0] =	sbarrier.arrive $0xFFFF  }
0x6c: {  	s31 =	simm.s32 $0x2;
	[sflag:s2] =	ssyncpa.u1 $0x1  }
0x6d: {  	[sflag:s31] =	ssyncpa.u1 $0x1  }
0x6e: {  	p0 =	sne.s32 s1, $0x0;
	_ =	strace $0x90000050  }
0x6f: {  	s0 =	sadd.s32 @!p0 $0x100000, s0;
	[bflag:$0x2] =	sbarrier.arrive $0xFFFF  }
0x70: {  	[sflag:s0] =	ssyncadd.tile.s32 @!p0 $0x1;
	_ =	shalt  }
.Lfunc_end1:
_tile_overlayer_lowered:
.L_overlay_start_2:
0x71: {  	(tag) =	ssettag $0x2  }
0x72: {  	s0 =	rddreg [dreg:$0x0];
	s2 =	stileid.u32  }
0x73: {  	s1 =	rddreg [dreg:$0x1];
	p0 =	sne.s32 s2, $0x0  }
0x74: {  	s3 =	rddreg [dreg:$0x2];
	[bflag:$0x3] =	sbarrier.arrive $0xFFFF;
	s2 =	simm.s32 @!p0 $0x1C01  }
0x75: {  	[timem:s3], [sflag:s2] =	dma.local @!p0 [hbm:s0], s1  }
0x76: {  	s0 =	simm.s32 @!p0 $0x1  }
0x77: {  	_ =	swait.ge @!p0 [sflag:s0], s1  }
0x78: {  	s1 =	ssub.s32 @!p0 $0x0, s1;
	[sflag:s0] =	ssyncset.done @!p0 $0x0  }
0x79: {  	[sflag:s0] =	ssyncadd.s32 @!p0 s1  }
0x7a: {  	[bflag:$0x3] =	sbarrier.arrive $0xFFFF  }
0x7b: {  	_ =	shalt  }

</sc_bundles>
